<compile_context>
chip_gen: v7x
topology: tpu7x:2x2x1
jax: 0.10.2.dev20260603
libtpu: 0.0.44.dev20260713+nightly
codegen_flags: <defaults>
</compile_context>

<pallas_src>
import functools
import math

import numpy as np
import jax
import jax.numpy as jnp
from jax import lax
from jax.experimental import pallas as pl
from jax.experimental.pallas import tpu as pltpu
from jax.experimental.pallas import tpu_sc as plsc

N_CODE = 10000
FCT = 100
K = 3
SPEED_OF_LIGHT = 299792458.0 * 1000.0
D_MAX = 10000.0
F_MAX = SPEED_OF_LIGHT / (2.0 * D_MAX)
TAU_MIN = 1.0 / F_MAX
DT = TAU_MIN / float(N_CODE)
P_AMBIENT = float(10 ** 6)

_ar = np.arange(FCT)
_DC = np.cos(2.0 * np.pi * np.outer(_ar, _ar) / FCT).astype(np.float32)
_DS = np.sin(2.0 * np.pi * np.outer(_ar, _ar) / FCT).astype(np.float32)
_WC = np.cos(2.0 * np.pi * np.outer(_ar, _ar) / N_CODE).astype(np.float32)
_WS = np.sin(2.0 * np.pi * np.outer(_ar, _ar) / N_CODE).astype(np.float32)

P_BLK = 256
N_PIX = 4096
N_CHUNK = 2000

_W2T = np.stack(
    [np.ones(N_CODE, np.float32), np.arange(N_CODE, dtype=np.float32)], axis=0
)


def _dot(a, b):
    return jnp.dot(a, b, preferred_element_type=jnp.float32)


def _prep_body(m_ref, d_ref, dc_ref, ds_ref, wc_ref, ws_ref, ncf_ref, tab_ref):
    Dc = dc_ref[...]
    Ds = ds_ref[...]
    Wc = wc_ref[...]
    Ws = ws_ref[...]

    def fwd(Xt):
        Gr = _dot(Xt, Dc)
        Gi = -_dot(Xt, Ds)
        Hr = Gr * Wc + Gi * Ws
        Hi = Gi * Wc - Gr * Ws
        Fr = _dot(Dc, Hr) + _dot(Ds, Hi)
        Fi = _dot(Dc, Hi) - _dot(Ds, Hr)
        return Fr, Fi

    for j in range(K):
        Xt = m_ref[j]
        Yt = d_ref[j]
        FMr, FMi = fwd(Xt)
        FDr, FDi = fwd(Yt)
        Pr = FMr * FDr + FMi * FDi
        Pi = FMr * FDi - FMi * FDr
        Ar = _dot(Dc, Pr) - _dot(Ds, Pi)
        Ai = _dot(Dc, Pi) + _dot(Ds, Pr)
        Br = Ar * Wc - Ai * Ws
        Bi = Ar * Ws + Ai * Wc
        RmT = (_dot(Br, Dc) - _dot(Bi, Ds)) * (1.0 / N_CODE)
        mu = jnp.mean(RmT)
        dev = RmT - mu
        sd = jnp.sqrt(jnp.sum(dev * dev) * (1.0 / (N_CODE - 1)))
        ncf_ref[j] = dev / sd
        kappa = jnp.sum(Yt) * DT
        tab_ref[j] = RmT * DT + P_AMBIENT * kappa


def _sc_gather_make(nw, ppw, lanes):
    mesh = plsc.VectorSubcoreMesh(core_axis_name="c", subcore_axis_name="s")
    nc = plsc.get_sparse_core_info().num_cores

    @functools.partial(
        pl.kernel,
        mesh=mesh,
        out_type=jax.ShapeDtypeStruct((K, N_PIX), jnp.float32),
        scratch_types=[
            pltpu.VMEM((ppw,), jnp.float32),
            pltpu.VMEM((K, ppw), jnp.int32),
            pltpu.VMEM((K, ppw), jnp.float32),
            pltpu.SemaphoreType.DMA,
        ],
    )
    def sc_gather(gt_hbm, tab_hbm, out_hbm, gt_v, idx_v, val_v, sem):
        wid = lax.axis_index("s") * nc + lax.axis_index("c")
        base = wid * ppw
        pltpu.sync_copy(gt_hbm.at[pl.ds(base, ppw)], gt_v)
        for t in range(ppw // lanes):
            g = gt_v[pl.ds(t * lanes, lanes)]
            r = g + 0.5
            ri = r.astype(jnp.int32)
            rf = ri.astype(jnp.float32)
            fix = (rf == r) & ((ri & 1) == 1)
            ri = jnp.where(fix, ri - 1, ri)
            ri = jnp.clip(ri, 0, N_CODE - 1)
            fl = ri * K
            for col in range(K):
                idx_v[col, pl.ds(t * lanes, lanes)] = fl + col
        for col in range(K):
            pltpu.async_copy(tab_hbm.at[idx_v.at[col]], val_v.at[col], sem).wait()
        pltpu.sync_copy(val_v, out_hbm.at[:, pl.ds(base, ppw)])

    return sc_gather


def _decode_body(bv_ref, ncf_ref, w2_ref, out_ref):
    v = bv_ref[...]
    mu = jnp.mean(v, axis=1, keepdims=True)
    dev = v - mu
    sd = jnp.sqrt(jnp.sum(dev * dev, axis=1, keepdims=True) * (1.0 / (K - 1)))
    nb = dev / sd
    S = jnp.zeros((P_BLK, 2), jnp.float32)
    for k in range(N_CODE // N_CHUNK):
        ncf_c = ncf_ref[:, pl.ds(k * N_CHUNK, N_CHUNK)]
        C = _dot(nb, ncf_c)
        E = jnp.exp(C)
        w2_c = w2_ref[:, pl.ds(k * N_CHUNK, N_CHUNK)]
        S = S + lax.dot_general(
            E, w2_c, (((1,), (1,)), ((), ())), preferred_element_type=jnp.float32
        )
    out_ref[...] = S[:, 1:2] / S[:, 0:1]


def kernel(gt_depths, ModFs, DemodFs):
    f32 = jnp.float32
    Mm = jnp.transpose(ModFs.astype(f32)).reshape(K, FCT, FCT).transpose(0, 2, 1)
    Dm = jnp.transpose(DemodFs.astype(f32)).reshape(K, FCT, FCT).transpose(0, 2, 1)

    ncf3, tab3 = pl.pallas_call(
        _prep_body,
        out_shape=(
            jax.ShapeDtypeStruct((K, FCT, FCT), f32),
            jax.ShapeDtypeStruct((K, FCT, FCT), f32),
        ),
    )(Mm, Dm, jnp.asarray(_DC), jnp.asarray(_DS), jnp.asarray(_WC), jnp.asarray(_WS))

    ncf = ncf3.transpose(0, 2, 1).reshape(K, N_CODE)
    tab_flat = tab3.transpose(2, 1, 0).reshape(N_CODE * K)

    info = plsc.get_sparse_core_info()
    nw = info.num_cores * info.num_subcores
    ppw = N_PIX // nw
    gt_flat = gt_depths.astype(f32).reshape(N_PIX)
    bv_cols = _sc_gather_make(nw, ppw, info.num_lanes)(gt_flat, tab_flat)
    bv = jnp.transpose(bv_cols)

    dec = pl.pallas_call(
        _decode_body,
        grid=(N_PIX // P_BLK,),
        in_specs=[
            pl.BlockSpec((P_BLK, K), lambda i: (i, 0)),
            pl.BlockSpec((K, N_CODE), lambda i: (0, 0)),
            pl.BlockSpec((2, N_CODE), lambda i: (0, 0)),
        ],
        out_specs=pl.BlockSpec((P_BLK, 1), lambda i: (i, 0)),
        out_shape=jax.ShapeDtypeStruct((N_PIX, 1), f32),
    )(bv, ncf, jnp.asarray(_W2T))

    return dec.reshape(gt_depths.shape)

# --- scband reference (transcript-rebuilt; emitter-appended) ---
"""Pipeline reference for scband-pixelwise-77919296684103 (READ-ONLY COPY).

The authoritative reference and input builder live on the scoring server;
editing this copy changes nothing except your own understanding.
"""

import jax, jax.numpy as jnp
import numpy as np
import math

N_CODE = 10000
K = 3
SPEED_OF_LIGHT = 299792458.0 * 1000.0
D_MAX = 10000.0
F_MAX = SPEED_OF_LIGHT / (2.0 * D_MAX)
TAU_MIN = 1.0 / F_MAX
DT = TAU_MIN / float(N_CODE)
P_SOURCE = float(10 ** 9)
P_AMBIENT = float(10 ** 6)
MEAN_BETA = 1e-4
T_INT = 0.1
TAU = 1.0 / F_MAX
GAMMA = 1.0 / (MEAN_BETA * T_INT * (P_AMBIENT + P_SOURCE))


def _get_coscos_mod(N, K):
    t = np.linspace(0.0, 2.0 * np.pi, N)
    cosF = 0.5 * np.cos(t) + 0.5
    ModFs = np.zeros((N, K), dtype=np.float32)
    shifts = (np.arange(K) * (float(N) / float(K))).astype(int)
    for i in range(K):
        ModFs[:, i] = np.roll(cosF, shifts[i])
    return ModFs


def _scale_mod(ModFs, tau, p_src):
    dt = tau / ModFs.shape[0]
    e_total = tau * p_src
    return ModFs * (e_total / (jnp.sum(ModFs, axis=0, keepdims=True) * dt))


def _corr_fns(ModFs, DemodFs, dt):
    n = ModFs.shape[0]
    fm = jnp.fft.rfft(ModFs, axis=0)
    fd = jnp.fft.rfft(DemodFs, axis=0)
    return jnp.fft.irfft(jnp.conj(fm) * fd, n=n, axis=0) * dt


def setup_inputs(seed: int = 0):
    key = jax.random.key(seed)
    k1, k2 = jax.random.split(key)
    gt_depths = 9000.0 * jax.random.uniform(k1, (1, 64, 64), dtype=jnp.float32)
    ModFs = jnp.asarray(_get_coscos_mod(N_CODE, K))
    phase = jax.random.uniform(k2, (1, K), dtype=jnp.float32)
    n_lin = jnp.linspace(0.0, 1.0, N_CODE)
    DemodFs = jnp.stack([0.5 + 0.5 * jnp.sin(2.0 * math.pi * (n_lin - phase[0, i])) for i in range(K)], axis=1).astype(jnp.float32)
    return {"gt_depths": gt_depths, "ModFs": ModFs, "DemodFs": DemodFs}


def reference(gt_depths, ModFs, DemodFs):
    # Utils.ScaleMod + Utils.GetCorrelationFunctions (circular cross-correlation)
    ModFs_scaled = _scale_mod(ModFs, TAU_MIN, P_SOURCE)
    CorrFs = _corr_fns(ModFs_scaled, DemodFs, DT)
    NormCorrFs = (CorrFs - jnp.mean(CorrFs, axis=0)) / jnp.std(CorrFs, axis=0, ddof=1)
    # Utils.ComputeBrightnessVals: codebook gather at (rounded) depth indices
    CorrFsB = _corr_fns(ModFs, DemodFs, DT)
    kappas = jnp.sum(DemodFs, axis=0) * DT
    idx = jnp.clip(jnp.round(gt_depths).astype(jnp.int32), 0, N_CODE - 1)
    BVals = (GAMMA * MEAN_BETA) * (T_INT / TAU) * (jnp.take(CorrFsB, idx, axis=0) + P_AMBIENT * kappas)
    # Decoding.DecodeXCorr: normalize brightness, correlate against all 10000 codewords,
    # soft-argmax over codeword index (differentiable decode)
    mu = jnp.mean(BVals, axis=-1, keepdims=True)
    sd = jnp.std(BVals, axis=-1, keepdims=True, ddof=1)
    NormBVals = (BVals - mu) / sd
    CorrVals = jnp.einsum('bhwk,nk->bhwn', NormBVals, NormCorrFs)
    probs = jax.nn.softmax(CorrVals, axis=-1)
    decoded = jnp.einsum('bhwn,n->bhw', probs, jnp.arange(N_CODE, dtype=jnp.float32))
    return decoded

if __name__ == "__main__":
    import jax
    _d = setup_inputs()
    print(jax.jit(kernel)(*tuple(_d.values())))

</pallas_src>

<mosaic_0001>
#map = affine_map<(d0, d1) -> (0)>
#map1 = affine_map<(d0, d1) -> (0, 0)>
module attributes {stable_mosaic.version = 14 : i64} {
  func.func @sc_gather(%arg0: i32, %arg1: i32, %arg2: memref<4096xf32, #tpu.memory_space<hbm>>, %arg3: memref<30000xf32, #tpu.memory_space<hbm>>, %arg4: memref<3x4096xf32, #tpu.memory_space<hbm>>, %arg5: memref<128xf32, #tpu.memory_space<vmem>>, %arg6: memref<3x128xi32, #tpu.memory_space<vmem>>, %arg7: memref<3x128xf32, #tpu.memory_space<vmem>>, %arg8: memref<!tpu.dma_semaphore, #tpu.memory_space<semaphore_mem>>) attributes {dimension_semantics = [#tpu.dimension_semantics<core_parallel>, #tpu.dimension_semantics<subcore_parallel>], iteration_bounds = array<i64: 2, 16>, scalar_prefetch = 0 : i64, scratch_operands = 4 : i64, tpu.core_type = #tpu.core_type<sc_vector_subcore>, window_params = [{transform_indices = #map}, {transform_indices = #map}, {transform_indices = #map1}]} {
    %mul3A = arith.constant 2 : i32
    %mul3A_0 = arith.muli %arg1, %mul3A : i32
    %add3A = arith.addi %mul3A_0, %arg0 : i32
    %mul3A_1 = arith.constant 128 : i32
    %mul3A_2 = arith.muli %add3A, %mul3A_1 : i32
    "tpu.region"() ({
      %run_scoped3A = tpu.sem_alloc : memref<!tpu.dma_semaphore, #tpu.memory_space<semaphore_mem>>
      %dma_start3A_499 = tpu.memref_slice %arg2[%mul3A_2] : memref<4096xf32, #tpu.memory_space<hbm>> -> memref<128xf32, #tpu.memory_space<hbm>>
      %dma_start3A_500 = tpu.memref_slice %arg2[%mul3A_2] : memref<4096xf32, #tpu.memory_space<hbm>> -> memref<128xf32, #tpu.memory_space<hbm>>
      tpu.enqueue_dma source(%dma_start3A_500 : memref<128xf32, #tpu.memory_space<hbm>>) target(%arg5 : memref<128xf32, #tpu.memory_space<vmem>>) target_semaphore(%run_scoped3A : memref<!tpu.dma_semaphore, #tpu.memory_space<semaphore_mem>>)
      %dma_wait3A_501 = tpu.memref_slice %arg2[%mul3A_2] : memref<4096xf32, #tpu.memory_space<hbm>> -> memref<128xf32, #tpu.memory_space<hbm>>
      %dma_wait3A_502 = tpu.memref_slice %arg2[%mul3A_2] : memref<4096xf32, #tpu.memory_space<hbm>> -> memref<128xf32, #tpu.memory_space<hbm>>
      tpu.wait_dma2 semaphore(%run_scoped3A : memref<!tpu.dma_semaphore, #tpu.memory_space<semaphore_mem>>) src(%dma_wait3A_502 : memref<128xf32, #tpu.memory_space<hbm>>) dst(%arg5 : memref<128xf32, #tpu.memory_space<vmem>>)
      tpu.yield
    }) : () -> ()
    %get3A = arith.constant 0 : index
    %get3A_3 = tpu.vector_load %arg5[%get3A] {strides = array<i32>} : memref<128xf32, #tpu.memory_space<vmem>>, vector<16xf32>,
    %get3A_4 = vector.shape_cast %get3A_3 : vector<16xf32> to vector<16xf32>
    %add3A_5 = arith.constant 5.000000e-01 : f32
    %add3A_6 = vector.broadcast %add3A_5 : f32 to vector<16xf32>
    %add3A_7 = arith.addf %get3A_4, %add3A_6 : vector<16xf32>
    %convert_element_type3A = arith.fptosi %add3A_7 : vector<16xf32> to vector<16xi32>
    %convert_element_type3A_8 = arith.sitofp %convert_element_type3A : vector<16xi32> to vector<16xf32>
    %eq3A = arith.cmpf oeq, %convert_element_type3A_8, %add3A_7 : vector<16xf32>
    %and3A = arith.constant 1 : i32
    %and3A_9 = vector.broadcast %and3A : i32 to vector<16xi32>
    %and3A_10 = arith.andi %convert_element_type3A, %and3A_9 : vector<16xi32>
    %eq3A_11 = arith.constant 1 : i32
    %eq3A_12 = vector.broadcast %eq3A_11 : i32 to vector<16xi32>
    %eq3A_13 = arith.cmpi eq, %and3A_10, %eq3A_12 : vector<16xi32>
    %and3A_14 = arith.andi %eq3A, %eq3A_13 : vector<16xi1>
    %sub3A = arith.constant 1 : i32
    %sub3A_15 = vector.broadcast %sub3A : i32 to vector<16xi32>
    %sub3A_16 = arith.subi %convert_element_type3A, %sub3A_15 : vector<16xi32>
    %select_n3A = arith.select %and3A_14, %sub3A_16, %convert_element_type3A : vector<16xi1>, vector<16xi32>
    %jit3A = arith.constant 0 : i32
    %jit3A_17 = arith.constant 9999 : i32
    %max3A = vector.broadcast %jit3A : i32 to vector<16xi32>
    %max3A_18 = arith.maxsi %max3A, %select_n3A : vector<16xi32>
    %min3A = vector.broadcast %jit3A_17 : i32 to vector<16xi32>
    %min3A_19 = arith.minsi %min3A, %max3A_18 : vector<16xi32>
    %mul3A_20 = arith.constant 3 : i32
    %mul3A_21 = vector.broadcast %mul3A_20 : i32 to vector<16xi32>
    %mul3A_22 = arith.muli %min3A_19, %mul3A_21 : vector<16xi32>
    %add3A_23 = arith.constant 0 : i32
    %add3A_24 = vector.broadcast %add3A_23 : i32 to vector<16xi32>
    %add3A_25 = arith.addi %mul3A_22, %add3A_24 : vector<16xi32>
    %swap3A = arith.constant 0 : i32
    %swap3A_26 = arith.index_cast %swap3A : i32 to index
    %swap3A_27 = arith.constant 0 : index
    %swap3A_28 = tpu.vector_load %arg6[%swap3A_26, %swap3A_27] {strides = array<i32>} : memref<3x128xi32, #tpu.memory_space<vmem>>, vector<1x16xi32>,
    %swap3A_29 = vector.shape_cast %swap3A_28 : vector<1x16xi32> to vector<16xi32>
    %swap3A_30 = vector.shape_cast %add3A_25 : vector<16xi32> to vector<1x16xi32>
    tpu.vector_store %arg6[%swap3A_26, %swap3A_27], %swap3A_30 {strides = array<i32>} : memref<3x128xi32, #tpu.memory_space<vmem>>, vector<1x16xi32>,
    %add3A_31 = arith.constant 1 : i32
    %add3A_32 = vector.broadcast %add3A_31 : i32 to vector<16xi32>
    %add3A_33 = arith.addi %mul3A_22, %add3A_32 : vector<16xi32>
    %swap3A_34 = arith.constant 1 : i32
    %swap3A_35 = arith.index_cast %swap3A_34 : i32 to index
    %swap3A_36 = arith.constant 0 : index
    %swap3A_37 = tpu.vector_load %arg6[%swap3A_35, %swap3A_36] {strides = array<i32>} : memref<3x128xi32, #tpu.memory_space<vmem>>, vector<1x16xi32>,
    %swap3A_38 = vector.shape_cast %swap3A_37 : vector<1x16xi32> to vector<16xi32>
    %swap3A_39 = vector.shape_cast %add3A_33 : vector<16xi32> to vector<1x16xi32>
    tpu.vector_store %arg6[%swap3A_35, %swap3A_36], %swap3A_39 {strides = array<i32>} : memref<3x128xi32, #tpu.memory_space<vmem>>, vector<1x16xi32>,
    %add3A_40 = arith.constant 2 : i32
    %add3A_41 = vector.broadcast %add3A_40 : i32 to vector<16xi32>
    %add3A_42 = arith.addi %mul3A_22, %add3A_41 : vector<16xi32>
    %swap3A_43 = arith.constant 2 : i32
    %swap3A_44 = arith.index_cast %swap3A_43 : i32 to index
    %swap3A_45 = arith.constant 0 : index
    %swap3A_46 = tpu.vector_load %arg6[%swap3A_44, %swap3A_45] {strides = array<i32>} : memref<3x128xi32, #tpu.memory_space<vmem>>, vector<1x16xi32>,
    %swap3A_47 = vector.shape_cast %swap3A_46 : vector<1x16xi32> to vector<16xi32>
    %swap3A_48 = vector.shape_cast %add3A_42 : vector<16xi32> to vector<1x16xi32>
    tpu.vector_store %arg6[%swap3A_44, %swap3A_45], %swap3A_48 {strides = array<i32>} : memref<3x128xi32, #tpu.memory_space<vmem>>, vector<1x16xi32>,
    %get3A_49 = arith.constant 16 : index
    %get3A_50 = tpu.vector_load %arg5[%get3A_49] {strides = array<i32>} : memref<128xf32, #tpu.memory_space<vmem>>, vector<16xf32>,
    %get3A_51 = vector.shape_cast %get3A_50 : vector<16xf32> to vector<16xf32>
    %add3A_52 = arith.constant 5.000000e-01 : f32
    %add3A_53 = vector.broadcast %add3A_52 : f32 to vector<16xf32>
    %add3A_54 = arith.addf %get3A_51, %add3A_53 : vector<16xf32>
    %convert_element_type3A_55 = arith.fptosi %add3A_54 : vector<16xf32> to vector<16xi32>
    %convert_element_type3A_56 = arith.sitofp %convert_element_type3A_55 : vector<16xi32> to vector<16xf32>
    %eq3A_57 = arith.cmpf oeq, %convert_element_type3A_56, %add3A_54 : vector<16xf32>
    %and3A_58 = arith.constant 1 : i32
    %and3A_59 = vector.broadcast %and3A_58 : i32 to vector<16xi32>
    %and3A_60 = arith.andi %convert_element_type3A_55, %and3A_59 : vector<16xi32>
    %eq3A_61 = arith.constant 1 : i32
    %eq3A_62 = vector.broadcast %eq3A_61 : i32 to vector<16xi32>
    %eq3A_63 = arith.cmpi eq, %and3A_60, %eq3A_62 : vector<16xi32>
    %and3A_64 = arith.andi %eq3A_57, %eq3A_63 : vector<16xi1>
    %sub3A_65 = arith.constant 1 : i32
    %sub3A_66 = vector.broadcast %sub3A_65 : i32 to vector<16xi32>
    %sub3A_67 = arith.subi %convert_element_type3A_55, %sub3A_66 : vector<16xi32>
    %select_n3A_68 = arith.select %and3A_64, %sub3A_67, %convert_element_type3A_55 : vector<16xi1>, vector<16xi32>
    %jit3A_69 = arith.constant 0 : i32
    %jit3A_70 = arith.constant 9999 : i32
    %max3A_71 = vector.broadcast %jit3A_69 : i32 to vector<16xi32>
    %max3A_72 = arith.maxsi %max3A_71, %select_n3A_68 : vector<16xi32>
    %min3A_73 = vector.broadcast %jit3A_70 : i32 to vector<16xi32>
    %min3A_74 = arith.minsi %min3A_73, %max3A_72 : vector<16xi32>
    %mul3A_75 = arith.constant 3 : i32
    %mul3A_76 = vector.broadcast %mul3A_75 : i32 to vector<16xi32>
    %mul3A_77 = arith.muli %min3A_74, %mul3A_76 : vector<16xi32>
    %add3A_78 = arith.constant 0 : i32
    %add3A_79 = vector.broadcast %add3A_78 : i32 to vector<16xi32>
    %add3A_80 = arith.addi %mul3A_77, %add3A_79 : vector<16xi32>
    %swap3A_81 = arith.constant 0 : i32
    %swap3A_82 = arith.index_cast %swap3A_81 : i32 to index
    %swap3A_83 = arith.constant 16 : index
    %swap3A_84 = tpu.vector_load %arg6[%swap3A_82, %swap3A_83] {strides = array<i32>} : memref<3x128xi32, #tpu.memory_space<vmem>>, vector<1x16xi32>,
    %swap3A_85 = vector.shape_cast %swap3A_84 : vector<1x16xi32> to vector<16xi32>
    %swap3A_86 = vector.shape_cast %add3A_80 : vector<16xi32> to vector<1x16xi32>
    tpu.vector_store %arg6[%swap3A_82, %swap3A_83], %swap3A_86 {strides = array<i32>} : memref<3x128xi32, #tpu.memory_space<vmem>>, vector<1x16xi32>,
    %add3A_87 = arith.constant 1 : i32
    %add3A_88 = vector.broadcast %add3A_87 : i32 to vector<16xi32>
    %add3A_89 = arith.addi %mul3A_77, %add3A_88 : vector<16xi32>
    %swap3A_90 = arith.constant 1 : i32
    %swap3A_91 = arith.index_cast %swap3A_90 : i32 to index
    %swap3A_92 = arith.constant 16 : index
    %swap3A_93 = tpu.vector_load %arg6[%swap3A_91, %swap3A_92] {strides = array<i32>} : memref<3x128xi32, #tpu.memory_space<vmem>>, vector<1x16xi32>,
    %swap3A_94 = vector.shape_cast %swap3A_93 : vector<1x16xi32> to vector<16xi32>
    %swap3A_95 = vector.shape_cast %add3A_89 : vector<16xi32> to vector<1x16xi32>
    tpu.vector_store %arg6[%swap3A_91, %swap3A_92], %swap3A_95 {strides = array<i32>} : memref<3x128xi32, #tpu.memory_space<vmem>>, vector<1x16xi32>,
    %add3A_96 = arith.constant 2 : i32
    %add3A_97 = vector.broadcast %add3A_96 : i32 to vector<16xi32>
    %add3A_98 = arith.addi %mul3A_77, %add3A_97 : vector<16xi32>
    %swap3A_99 = arith.constant 2 : i32
    %swap3A_100 = arith.index_cast %swap3A_99 : i32 to index
    %swap3A_101 = arith.constant 16 : index
    %swap3A_102 = tpu.vector_load %arg6[%swap3A_100, %swap3A_101] {strides = array<i32>} : memref<3x128xi32, #tpu.memory_space<vmem>>, vector<1x16xi32>,
    %swap3A_103 = vector.shape_cast %swap3A_102 : vector<1x16xi32> to vector<16xi32>
    %swap3A_104 = vector.shape_cast %add3A_98 : vector<16xi32> to vector<1x16xi32>
    tpu.vector_store %arg6[%swap3A_100, %swap3A_101], %swap3A_104 {strides = array<i32>} : memref<3x128xi32, #tpu.memory_space<vmem>>, vector<1x16xi32>,
    %get3A_105 = arith.constant 32 : index
    %get3A_106 = tpu.vector_load %arg5[%get3A_105] {strides = array<i32>} : memref<128xf32, #tpu.memory_space<vmem>>, vector<16xf32>,
    %get3A_107 = vector.shape_cast %get3A_106 : vector<16xf32> to vector<16xf32>
    %add3A_108 = arith.constant 5.000000e-01 : f32
    %add3A_109 = vector.broadcast %add3A_108 : f32 to vector<16xf32>
    %add3A_110 = arith.addf %get3A_107, %add3A_109 : vector<16xf32>
    %convert_element_type3A_111 = arith.fptosi %add3A_110 : vector<16xf32> to vector<16xi32>
    %convert_element_type3A_112 = arith.sitofp %convert_element_type3A_111 : vector<16xi32> to vector<16xf32>
    %eq3A_113 = arith.cmpf oeq, %convert_element_type3A_112, %add3A_110 : vector<16xf32>
    %and3A_114 = arith.constant 1 : i32
    %and3A_115 = vector.broadcast %and3A_114 : i32 to vector<16xi32>
    %and3A_116 = arith.andi %convert_element_type3A_111, %and3A_115 : vector<16xi32>
    %eq3A_117 = arith.constant 1 : i32
    %eq3A_118 = vector.broadcast %eq3A_117 : i32 to vector<16xi32>
    %eq3A_119 = arith.cmpi eq, %and3A_116, %eq3A_118 : vector<16xi32>
    %and3A_120 = arith.andi %eq3A_113, %eq3A_119 : vector<16xi1>
    %sub3A_121 = arith.constant 1 : i32
    %sub3A_122 = vector.broadcast %sub3A_121 : i32 to vector<16xi32>
    %sub3A_123 = arith.subi %convert_element_type3A_111, %sub3A_122 : vector<16xi32>
    %select_n3A_124 = arith.select %and3A_120, %sub3A_123, %convert_element_type3A_111 : vector<16xi1>, vector<16xi32>
    %jit3A_125 = arith.constant 0 : i32
    %jit3A_126 = arith.constant 9999 : i32
    %max3A_127 = vector.broadcast %jit3A_125 : i32 to vector<16xi32>
    %max3A_128 = arith.maxsi %max3A_127, %select_n3A_124 : vector<16xi32>
    %min3A_129 = vector.broadcast %jit3A_126 : i32 to vector<16xi32>
    %min3A_130 = arith.minsi %min3A_129, %max3A_128 : vector<16xi32>
    %mul3A_131 = arith.constant 3 : i32
    %mul3A_132 = vector.broadcast %mul3A_131 : i32 to vector<16xi32>
    %mul3A_133 = arith.muli %min3A_130, %mul3A_132 : vector<16xi32>
    %add3A_134 = arith.constant 0 : i32
    %add3A_135 = vector.broadcast %add3A_134 : i32 to vector<16xi32>
    %add3A_136 = arith.addi %mul3A_133, %add3A_135 : vector<16xi32>
    %swap3A_137 = arith.constant 0 : i32
    %swap3A_138 = arith.index_cast %swap3A_137 : i32 to index
    %swap3A_139 = arith.constant 32 : index
    %swap3A_140 = tpu.vector_load %arg6[%swap3A_138, %swap3A_139] {strides = array<i32>} : memref<3x128xi32, #tpu.memory_space<vmem>>, vector<1x16xi32>,
    %swap3A_141 = vector.shape_cast %swap3A_140 : vector<1x16xi32> to vector<16xi32>
    %swap3A_142 = vector.shape_cast %add3A_136 : vector<16xi32> to vector<1x16xi32>
    tpu.vector_store %arg6[%swap3A_138, %swap3A_139], %swap3A_142 {strides = array<i32>} : memref<3x128xi32, #tpu.memory_space<vmem>>, vector<1x16xi32>,
    %add3A_143 = arith.constant 1 : i32
    %add3A_144 = vector.broadcast %add3A_143 : i32 to vector<16xi32>
    %add3A_145 = arith.addi %mul3A_133, %add3A_144 : vector<16xi32>
    %swap3A_146 = arith.constant 1 : i32
    %swap3A_147 = arith.index_cast %swap3A_146 : i32 to index
    %swap3A_148 = arith.constant 32 : index
    %swap3A_149 = tpu.vector_load %arg6[%swap3A_147, %swap3A_148] {strides = array<i32>} : memref<3x128xi32, #tpu.memory_space<vmem>>, vector<1x16xi32>,
    %swap3A_150 = vector.shape_cast %swap3A_149 : vector<1x16xi32> to vector<16xi32>
    %swap3A_151 = vector.shape_cast %add3A_145 : vector<16xi32> to vector<1x16xi32>
    tpu.vector_store %arg6[%swap3A_147, %swap3A_148], %swap3A_151 {strides = array<i32>} : memref<3x128xi32, #tpu.memory_space<vmem>>, vector<1x16xi32>,
    %add3A_152 = arith.constant 2 : i32
    %add3A_153 = vector.broadcast %add3A_152 : i32 to vector<16xi32>
    %add3A_154 = arith.addi %mul3A_133, %add3A_153 : vector<16xi32>
    %swap3A_155 = arith.constant 2 : i32
    %swap3A_156 = arith.index_cast %swap3A_155 : i32 to index
    %swap3A_157 = arith.constant 32 : index
    %swap3A_158 = tpu.vector_load %arg6[%swap3A_156, %swap3A_157] {strides = array<i32>} : memref<3x128xi32, #tpu.memory_space<vmem>>, vector<1x16xi32>,
    %swap3A_159 = vector.shape_cast %swap3A_158 : vector<1x16xi32> to vector<16xi32>
    %swap3A_160 = vector.shape_cast %add3A_154 : vector<16xi32> to vector<1x16xi32>
    tpu.vector_store %arg6[%swap3A_156, %swap3A_157], %swap3A_160 {strides = array<i32>} : memref<3x128xi32, #tpu.memory_space<vmem>>, vector<1x16xi32>,
    %get3A_161 = arith.constant 48 : index
    %get3A_162 = tpu.vector_load %arg5[%get3A_161] {strides = array<i32>} : memref<128xf32, #tpu.memory_space<vmem>>, vector<16xf32>,
    %get3A_163 = vector.shape_cast %get3A_162 : vector<16xf32> to vector<16xf32>
    %add3A_164 = arith.constant 5.000000e-01 : f32
    %add3A_165 = vector.broadcast %add3A_164 : f32 to vector<16xf32>
    %add3A_166 = arith.addf %get3A_163, %add3A_165 : vector<16xf32>
    %convert_element_type3A_167 = arith.fptosi %add3A_166 : vector<16xf32> to vector<16xi32>
    %convert_element_type3A_168 = arith.sitofp %convert_element_type3A_167 : vector<16xi32> to vector<16xf32>
    %eq3A_169 = arith.cmpf oeq, %convert_element_type3A_168, %add3A_166 : vector<16xf32>
    %and3A_170 = arith.constant 1 : i32
    %and3A_171 = vector.broadcast %and3A_170 : i32 to vector<16xi32>
    %and3A_172 = arith.andi %convert_element_type3A_167, %and3A_171 : vector<16xi32>
    %eq3A_173 = arith.constant 1 : i32
    %eq3A_174 = vector.broadcast %eq3A_173 : i32 to vector<16xi32>
    %eq3A_175 = arith.cmpi eq, %and3A_172, %eq3A_174 : vector<16xi32>
    %and3A_176 = arith.andi %eq3A_169, %eq3A_175 : vector<16xi1>
    %sub3A_177 = arith.constant 1 : i32
    %sub3A_178 = vector.broadcast %sub3A_177 : i32 to vector<16xi32>
    %sub3A_179 = arith.subi %convert_element_type3A_167, %sub3A_178 : vector<16xi32>
    %select_n3A_180 = arith.select %and3A_176, %sub3A_179, %convert_element_type3A_167 : vector<16xi1>, vector<16xi32>
    %jit3A_181 = arith.constant 0 : i32
    %jit3A_182 = arith.constant 9999 : i32
    %max3A_183 = vector.broadcast %jit3A_181 : i32 to vector<16xi32>
    %max3A_184 = arith.maxsi %max3A_183, %select_n3A_180 : vector<16xi32>
    %min3A_185 = vector.broadcast %jit3A_182 : i32 to vector<16xi32>
    %min3A_186 = arith.minsi %min3A_185, %max3A_184 : vector<16xi32>
    %mul3A_187 = arith.constant 3 : i32
    %mul3A_188 = vector.broadcast %mul3A_187 : i32 to vector<16xi32>
    %mul3A_189 = arith.muli %min3A_186, %mul3A_188 : vector<16xi32>
    %add3A_190 = arith.constant 0 : i32
    %add3A_191 = vector.broadcast %add3A_190 : i32 to vector<16xi32>
    %add3A_192 = arith.addi %mul3A_189, %add3A_191 : vector<16xi32>
    %swap3A_193 = arith.constant 0 : i32
    %swap3A_194 = arith.index_cast %swap3A_193 : i32 to index
    %swap3A_195 = arith.constant 48 : index
    %swap3A_196 = tpu.vector_load %arg6[%swap3A_194, %swap3A_195] {strides = array<i32>} : memref<3x128xi32, #tpu.memory_space<vmem>>, vector<1x16xi32>,
    %swap3A_197 = vector.shape_cast %swap3A_196 : vector<1x16xi32> to vector<16xi32>
    %swap3A_198 = vector.shape_cast %add3A_192 : vector<16xi32> to vector<1x16xi32>
    tpu.vector_store %arg6[%swap3A_194, %swap3A_195], %swap3A_198 {strides = array<i32>} : memref<3x128xi32, #tpu.memory_space<vmem>>, vector<1x16xi32>,
    %add3A_199 = arith.constant 1 : i32
    %add3A_200 = vector.broadcast %add3A_199 : i32 to vector<16xi32>
    %add3A_201 = arith.addi %mul3A_189, %add3A_200 : vector<16xi32>
    %swap3A_202 = arith.constant 1 : i32
    %swap3A_203 = arith.index_cast %swap3A_202 : i32 to index
    %swap3A_204 = arith.constant 48 : index
    %swap3A_205 = tpu.vector_load %arg6[%swap3A_203, %swap3A_204] {strides = array<i32>} : memref<3x128xi32, #tpu.memory_space<vmem>>, vector<1x16xi32>,
    %swap3A_206 = vector.shape_cast %swap3A_205 : vector<1x16xi32> to vector<16xi32>
    %swap3A_207 = vector.shape_cast %add3A_201 : vector<16xi32> to vector<1x16xi32>
    tpu.vector_store %arg6[%swap3A_203, %swap3A_204], %swap3A_207 {strides = array<i32>} : memref<3x128xi32, #tpu.memory_space<vmem>>, vector<1x16xi32>,
    %add3A_208 = arith.constant 2 : i32
    %add3A_209 = vector.broadcast %add3A_208 : i32 to vector<16xi32>
    %add3A_210 = arith.addi %mul3A_189, %add3A_209 : vector<16xi32>
    %swap3A_211 = arith.constant 2 : i32
    %swap3A_212 = arith.index_cast %swap3A_211 : i32 to index
    %swap3A_213 = arith.constant 48 : index
    %swap3A_214 = tpu.vector_load %arg6[%swap3A_212, %swap3A_213] {strides = array<i32>} : memref<3x128xi32, #tpu.memory_space<vmem>>, vector<1x16xi32>,
    %swap3A_215 = vector.shape_cast %swap3A_214 : vector<1x16xi32> to vector<16xi32>
    %swap3A_216 = vector.shape_cast %add3A_210 : vector<16xi32> to vector<1x16xi32>
    tpu.vector_store %arg6[%swap3A_212, %swap3A_213], %swap3A_216 {strides = array<i32>} : memref<3x128xi32, #tpu.memory_space<vmem>>, vector<1x16xi32>,
    %get3A_217 = arith.constant 64 : index
    %get3A_218 = tpu.vector_load %arg5[%get3A_217] {strides = array<i32>} : memref<128xf32, #tpu.memory_space<vmem>>, vector<16xf32>,
    %get3A_219 = vector.shape_cast %get3A_218 : vector<16xf32> to vector<16xf32>
    %add3A_220 = arith.constant 5.000000e-01 : f32
    %add3A_221 = vector.broadcast %add3A_220 : f32 to vector<16xf32>
    %add3A_222 = arith.addf %get3A_219, %add3A_221 : vector<16xf32>
    %convert_element_type3A_223 = arith.fptosi %add3A_222 : vector<16xf32> to vector<16xi32>
    %convert_element_type3A_224 = arith.sitofp %convert_element_type3A_223 : vector<16xi32> to vector<16xf32>
    %eq3A_225 = arith.cmpf oeq, %convert_element_type3A_224, %add3A_222 : vector<16xf32>
    %and3A_226 = arith.constant 1 : i32
    %and3A_227 = vector.broadcast %and3A_226 : i32 to vector<16xi32>
    %and3A_228 = arith.andi %convert_element_type3A_223, %and3A_227 : vector<16xi32>
    %eq3A_229 = arith.constant 1 : i32
    %eq3A_230 = vector.broadcast %eq3A_229 : i32 to vector<16xi32>
    %eq3A_231 = arith.cmpi eq, %and3A_228, %eq3A_230 : vector<16xi32>
    %and3A_232 = arith.andi %eq3A_225, %eq3A_231 : vector<16xi1>
    %sub3A_233 = arith.constant 1 : i32
    %sub3A_234 = vector.broadcast %sub3A_233 : i32 to vector<16xi32>
    %sub3A_235 = arith.subi %convert_element_type3A_223, %sub3A_234 : vector<16xi32>
    %select_n3A_236 = arith.select %and3A_232, %sub3A_235, %convert_element_type3A_223 : vector<16xi1>, vector<16xi32>
    %jit3A_237 = arith.constant 0 : i32
    %jit3A_238 = arith.constant 9999 : i32
    %max3A_239 = vector.broadcast %jit3A_237 : i32 to vector<16xi32>
    %max3A_240 = arith.maxsi %max3A_239, %select_n3A_236 : vector<16xi32>
    %min3A_241 = vector.broadcast %jit3A_238 : i32 to vector<16xi32>
    %min3A_242 = arith.minsi %min3A_241, %max3A_240 : vector<16xi32>
    %mul3A_243 = arith.constant 3 : i32
    %mul3A_244 = vector.broadcast %mul3A_243 : i32 to vector<16xi32>
    %mul3A_245 = arith.muli %min3A_242, %mul3A_244 : vector<16xi32>
    %add3A_246 = arith.constant 0 : i32
    %add3A_247 = vector.broadcast %add3A_246 : i32 to vector<16xi32>
    %add3A_248 = arith.addi %mul3A_245, %add3A_247 : vector<16xi32>
    %swap3A_249 = arith.constant 0 : i32
    %swap3A_250 = arith.index_cast %swap3A_249 : i32 to index
    %swap3A_251 = arith.constant 64 : index
    %swap3A_252 = tpu.vector_load %arg6[%swap3A_250, %swap3A_251] {strides = array<i32>} : memref<3x128xi32, #tpu.memory_space<vmem>>, vector<1x16xi32>,
    %swap3A_253 = vector.shape_cast %swap3A_252 : vector<1x16xi32> to vector<16xi32>
    %swap3A_254 = vector.shape_cast %add3A_248 : vector<16xi32> to vector<1x16xi32>
    tpu.vector_store %arg6[%swap3A_250, %swap3A_251], %swap3A_254 {strides = array<i32>} : memref<3x128xi32, #tpu.memory_space<vmem>>, vector<1x16xi32>,
    %add3A_255 = arith.constant 1 : i32
    %add3A_256 = vector.broadcast %add3A_255 : i32 to vector<16xi32>
    %add3A_257 = arith.addi %mul3A_245, %add3A_256 : vector<16xi32>
    %swap3A_258 = arith.constant 1 : i32
    %swap3A_259 = arith.index_cast %swap3A_258 : i32 to index
    %swap3A_260 = arith.constant 64 : index
    %swap3A_261 = tpu.vector_load %arg6[%swap3A_259, %swap3A_260] {strides = array<i32>} : memref<3x128xi32, #tpu.memory_space<vmem>>, vector<1x16xi32>,
    %swap3A_262 = vector.shape_cast %swap3A_261 : vector<1x16xi32> to vector<16xi32>
    %swap3A_263 = vector.shape_cast %add3A_257 : vector<16xi32> to vector<1x16xi32>
    tpu.vector_store %arg6[%swap3A_259, %swap3A_260], %swap3A_263 {strides = array<i32>} : memref<3x128xi32, #tpu.memory_space<vmem>>, vector<1x16xi32>,
    %add3A_264 = arith.constant 2 : i32
    %add3A_265 = vector.broadcast %add3A_264 : i32 to vector<16xi32>
    %add3A_266 = arith.addi %mul3A_245, %add3A_265 : vector<16xi32>
    %swap3A_267 = arith.constant 2 : i32
    %swap3A_268 = arith.index_cast %swap3A_267 : i32 to index
    %swap3A_269 = arith.constant 64 : index
    %swap3A_270 = tpu.vector_load %arg6[%swap3A_268, %swap3A_269] {strides = array<i32>} : memref<3x128xi32, #tpu.memory_space<vmem>>, vector<1x16xi32>,
    %swap3A_271 = vector.shape_cast %swap3A_270 : vector<1x16xi32> to vector<16xi32>
    %swap3A_272 = vector.shape_cast %add3A_266 : vector<16xi32> to vector<1x16xi32>
    tpu.vector_store %arg6[%swap3A_268, %swap3A_269], %swap3A_272 {strides = array<i32>} : memref<3x128xi32, #tpu.memory_space<vmem>>, vector<1x16xi32>,
    %get3A_273 = arith.constant 80 : index
    %get3A_274 = tpu.vector_load %arg5[%get3A_273] {strides = array<i32>} : memref<128xf32, #tpu.memory_space<vmem>>, vector<16xf32>,
    %get3A_275 = vector.shape_cast %get3A_274 : vector<16xf32> to vector<16xf32>
    %add3A_276 = arith.constant 5.000000e-01 : f32
    %add3A_277 = vector.broadcast %add3A_276 : f32 to vector<16xf32>
    %add3A_278 = arith.addf %get3A_275, %add3A_277 : vector<16xf32>
    %convert_element_type3A_279 = arith.fptosi %add3A_278 : vector<16xf32> to vector<16xi32>
    %convert_element_type3A_280 = arith.sitofp %convert_element_type3A_279 : vector<16xi32> to vector<16xf32>
    %eq3A_281 = arith.cmpf oeq, %convert_element_type3A_280, %add3A_278 : vector<16xf32>
    %and3A_282 = arith.constant 1 : i32
    %and3A_283 = vector.broadcast %and3A_282 : i32 to vector<16xi32>
    %and3A_284 = arith.andi %convert_element_type3A_279, %and3A_283 : vector<16xi32>
    %eq3A_285 = arith.constant 1 : i32
    %eq3A_286 = vector.broadcast %eq3A_285 : i32 to vector<16xi32>
    %eq3A_287 = arith.cmpi eq, %and3A_284, %eq3A_286 : vector<16xi32>
    %and3A_288 = arith.andi %eq3A_281, %eq3A_287 : vector<16xi1>
    %sub3A_289 = arith.constant 1 : i32
    %sub3A_290 = vector.broadcast %sub3A_289 : i32 to vector<16xi32>
    %sub3A_291 = arith.subi %convert_element_type3A_279, %sub3A_290 : vector<16xi32>
    %select_n3A_292 = arith.select %and3A_288, %sub3A_291, %convert_element_type3A_279 : vector<16xi1>, vector<16xi32>
    %jit3A_293 = arith.constant 0 : i32
    %jit3A_294 = arith.constant 9999 : i32
    %max3A_295 = vector.broadcast %jit3A_293 : i32 to vector<16xi32>
    %max3A_296 = arith.maxsi %max3A_295, %select_n3A_292 : vector<16xi32>
    %min3A_297 = vector.broadcast %jit3A_294 : i32 to vector<16xi32>
    %min3A_298 = arith.minsi %min3A_297, %max3A_296 : vector<16xi32>
    %mul3A_299 = arith.constant 3 : i32
    %mul3A_300 = vector.broadcast %mul3A_299 : i32 to vector<16xi32>
    %mul3A_301 = arith.muli %min3A_298, %mul3A_300 : vector<16xi32>
    %add3A_302 = arith.constant 0 : i32
    %add3A_303 = vector.broadcast %add3A_302 : i32 to vector<16xi32>
    %add3A_304 = arith.addi %mul3A_301, %add3A_303 : vector<16xi32>
    %swap3A_305 = arith.constant 0 : i32
    %swap3A_306 = arith.index_cast %swap3A_305 : i32 to index
    %swap3A_307 = arith.constant 80 : index
    %swap3A_308 = tpu.vector_load %arg6[%swap3A_306, %swap3A_307] {strides = array<i32>} : memref<3x128xi32, #tpu.memory_space<vmem>>, vector<1x16xi32>,
    %swap3A_309 = vector.shape_cast %swap3A_308 : vector<1x16xi32> to vector<16xi32>
    %swap3A_310 = vector.shape_cast %add3A_304 : vector<16xi32> to vector<1x16xi32>
    tpu.vector_store %arg6[%swap3A_306, %swap3A_307], %swap3A_310 {strides = array<i32>} : memref<3x128xi32, #tpu.memory_space<vmem>>, vector<1x16xi32>,
    %add3A_311 = arith.constant 1 : i32
    %add3A_312 = vector.broadcast %add3A_311 : i32 to vector<16xi32>
    %add3A_313 = arith.addi %mul3A_301, %add3A_312 : vector<16xi32>
    %swap3A_314 = arith.constant 1 : i32
    %swap3A_315 = arith.index_cast %swap3A_314 : i32 to index
    %swap3A_316 = arith.constant 80 : index
    %swap3A_317 = tpu.vector_load %arg6[%swap3A_315, %swap3A_316] {strides = array<i32>} : memref<3x128xi32, #tpu.memory_space<vmem>>, vector<1x16xi32>,
    %swap3A_318 = vector.shape_cast %swap3A_317 : vector<1x16xi32> to vector<16xi32>
    %swap3A_319 = vector.shape_cast %add3A_313 : vector<16xi32> to vector<1x16xi32>
    tpu.vector_store %arg6[%swap3A_315, %swap3A_316], %swap3A_319 {strides = array<i32>} : memref<3x128xi32, #tpu.memory_space<vmem>>, vector<1x16xi32>,
    %add3A_320 = arith.constant 2 : i32
    %add3A_321 = vector.broadcast %add3A_320 : i32 to vector<16xi32>
    %add3A_322 = arith.addi %mul3A_301, %add3A_321 : vector<16xi32>
    %swap3A_323 = arith.constant 2 : i32
    %swap3A_324 = arith.index_cast %swap3A_323 : i32 to index
    %swap3A_325 = arith.constant 80 : index
    %swap3A_326 = tpu.vector_load %arg6[%swap3A_324, %swap3A_325] {strides = array<i32>} : memref<3x128xi32, #tpu.memory_space<vmem>>, vector<1x16xi32>,
    %swap3A_327 = vector.shape_cast %swap3A_326 : vector<1x16xi32> to vector<16xi32>
    %swap3A_328 = vector.shape_cast %add3A_322 : vector<16xi32> to vector<1x16xi32>
    tpu.vector_store %arg6[%swap3A_324, %swap3A_325], %swap3A_328 {strides = array<i32>} : memref<3x128xi32, #tpu.memory_space<vmem>>, vector<1x16xi32>,
    %get3A_329 = arith.constant 96 : index
    %get3A_330 = tpu.vector_load %arg5[%get3A_329] {strides = array<i32>} : memref<128xf32, #tpu.memory_space<vmem>>, vector<16xf32>,
    %get3A_331 = vector.shape_cast %get3A_330 : vector<16xf32> to vector<16xf32>
    %add3A_332 = arith.constant 5.000000e-01 : f32
    %add3A_333 = vector.broadcast %add3A_332 : f32 to vector<16xf32>
    %add3A_334 = arith.addf %get3A_331, %add3A_333 : vector<16xf32>
    %convert_element_type3A_335 = arith.fptosi %add3A_334 : vector<16xf32> to vector<16xi32>
    %convert_element_type3A_336 = arith.sitofp %convert_element_type3A_335 : vector<16xi32> to vector<16xf32>
    %eq3A_337 = arith.cmpf oeq, %convert_element_type3A_336, %add3A_334 : vector<16xf32>
    %and3A_338 = arith.constant 1 : i32
    %and3A_339 = vector.broadcast %and3A_338 : i32 to vector<16xi32>
    %and3A_340 = arith.andi %convert_element_type3A_335, %and3A_339 : vector<16xi32>
    %eq3A_341 = arith.constant 1 : i32
    %eq3A_342 = vector.broadcast %eq3A_341 : i32 to vector<16xi32>
    %eq3A_343 = arith.cmpi eq, %and3A_340, %eq3A_342 : vector<16xi32>
    %and3A_344 = arith.andi %eq3A_337, %eq3A_343 : vector<16xi1>
    %sub3A_345 = arith.constant 1 : i32
    %sub3A_346 = vector.broadcast %sub3A_345 : i32 to vector<16xi32>
    %sub3A_347 = arith.subi %convert_element_type3A_335, %sub3A_346 : vector<16xi32>
    %select_n3A_348 = arith.select %and3A_344, %sub3A_347, %convert_element_type3A_335 : vector<16xi1>, vector<16xi32>
    %jit3A_349 = arith.constant 0 : i32
    %jit3A_350 = arith.constant 9999 : i32
    %max3A_351 = vector.broadcast %jit3A_349 : i32 to vector<16xi32>
    %max3A_352 = arith.maxsi %max3A_351, %select_n3A_348 : vector<16xi32>
    %min3A_353 = vector.broadcast %jit3A_350 : i32 to vector<16xi32>
    %min3A_354 = arith.minsi %min3A_353, %max3A_352 : vector<16xi32>
    %mul3A_355 = arith.constant 3 : i32
    %mul3A_356 = vector.broadcast %mul3A_355 : i32 to vector<16xi32>
    %mul3A_357 = arith.muli %min3A_354, %mul3A_356 : vector<16xi32>
    %add3A_358 = arith.constant 0 : i32
    %add3A_359 = vector.broadcast %add3A_358 : i32 to vector<16xi32>
    %add3A_360 = arith.addi %mul3A_357, %add3A_359 : vector<16xi32>
    %swap3A_361 = arith.constant 0 : i32
    %swap3A_362 = arith.index_cast %swap3A_361 : i32 to index
    %swap3A_363 = arith.constant 96 : index
    %swap3A_364 = tpu.vector_load %arg6[%swap3A_362, %swap3A_363] {strides = array<i32>} : memref<3x128xi32, #tpu.memory_space<vmem>>, vector<1x16xi32>,
    %swap3A_365 = vector.shape_cast %swap3A_364 : vector<1x16xi32> to vector<16xi32>
    %swap3A_366 = vector.shape_cast %add3A_360 : vector<16xi32> to vector<1x16xi32>
    tpu.vector_store %arg6[%swap3A_362, %swap3A_363], %swap3A_366 {strides = array<i32>} : memref<3x128xi32, #tpu.memory_space<vmem>>, vector<1x16xi32>,
    %add3A_367 = arith.constant 1 : i32
    %add3A_368 = vector.broadcast %add3A_367 : i32 to vector<16xi32>
    %add3A_369 = arith.addi %mul3A_357, %add3A_368 : vector<16xi32>
    %swap3A_370 = arith.constant 1 : i32
    %swap3A_371 = arith.index_cast %swap3A_370 : i32 to index
    %swap3A_372 = arith.constant 96 : index
    %swap3A_373 = tpu.vector_load %arg6[%swap3A_371, %swap3A_372] {strides = array<i32>} : memref<3x128xi32, #tpu.memory_space<vmem>>, vector<1x16xi32>,
    %swap3A_374 = vector.shape_cast %swap3A_373 : vector<1x16xi32> to vector<16xi32>
    %swap3A_375 = vector.shape_cast %add3A_369 : vector<16xi32> to vector<1x16xi32>
    tpu.vector_store %arg6[%swap3A_371, %swap3A_372], %swap3A_375 {strides = array<i32>} : memref<3x128xi32, #tpu.memory_space<vmem>>, vector<1x16xi32>,
    %add3A_376 = arith.constant 2 : i32
    %add3A_377 = vector.broadcast %add3A_376 : i32 to vector<16xi32>
    %add3A_378 = arith.addi %mul3A_357, %add3A_377 : vector<16xi32>
    %swap3A_379 = arith.constant 2 : i32
    %swap3A_380 = arith.index_cast %swap3A_379 : i32 to index
    %swap3A_381 = arith.constant 96 : index
    %swap3A_382 = tpu.vector_load %arg6[%swap3A_380, %swap3A_381] {strides = array<i32>} : memref<3x128xi32, #tpu.memory_space<vmem>>, vector<1x16xi32>,
    %swap3A_383 = vector.shape_cast %swap3A_382 : vector<1x16xi32> to vector<16xi32>
    %swap3A_384 = vector.shape_cast %add3A_378 : vector<16xi32> to vector<1x16xi32>
    tpu.vector_store %arg6[%swap3A_380, %swap3A_381], %swap3A_384 {strides = array<i32>} : memref<3x128xi32, #tpu.memory_space<vmem>>, vector<1x16xi32>,
    %get3A_385 = arith.constant 112 : index
    %get3A_386 = tpu.vector_load %arg5[%get3A_385] {strides = array<i32>} : memref<128xf32, #tpu.memory_space<vmem>>, vector<16xf32>,
    %get3A_387 = vector.shape_cast %get3A_386 : vector<16xf32> to vector<16xf32>
    %add3A_388 = arith.constant 5.000000e-01 : f32
    %add3A_389 = vector.broadcast %add3A_388 : f32 to vector<16xf32>
    %add3A_390 = arith.addf %get3A_387, %add3A_389 : vector<16xf32>
    %convert_element_type3A_391 = arith.fptosi %add3A_390 : vector<16xf32> to vector<16xi32>
    %convert_element_type3A_392 = arith.sitofp %convert_element_type3A_391 : vector<16xi32> to vector<16xf32>
    %eq3A_393 = arith.cmpf oeq, %convert_element_type3A_392, %add3A_390 : vector<16xf32>
    %and3A_394 = arith.constant 1 : i32
    %and3A_395 = vector.broadcast %and3A_394 : i32 to vector<16xi32>
    %and3A_396 = arith.andi %convert_element_type3A_391, %and3A_395 : vector<16xi32>
    %eq3A_397 = arith.constant 1 : i32
    %eq3A_398 = vector.broadcast %eq3A_397 : i32 to vector<16xi32>
    %eq3A_399 = arith.cmpi eq, %and3A_396, %eq3A_398 : vector<16xi32>
    %and3A_400 = arith.andi %eq3A_393, %eq3A_399 : vector<16xi1>
    %sub3A_401 = arith.constant 1 : i32
    %sub3A_402 = vector.broadcast %sub3A_401 : i32 to vector<16xi32>
    %sub3A_403 = arith.subi %convert_element_type3A_391, %sub3A_402 : vector<16xi32>
    %select_n3A_404 = arith.select %and3A_400, %sub3A_403, %convert_element_type3A_391 : vector<16xi1>, vector<16xi32>
    %jit3A_405 = arith.constant 0 : i32
    %jit3A_406 = arith.constant 9999 : i32
    %max3A_407 = vector.broadcast %jit3A_405 : i32 to vector<16xi32>
    %max3A_408 = arith.maxsi %max3A_407, %select_n3A_404 : vector<16xi32>
    %min3A_409 = vector.broadcast %jit3A_406 : i32 to vector<16xi32>
    %min3A_410 = arith.minsi %min3A_409, %max3A_408 : vector<16xi32>
    %mul3A_411 = arith.constant 3 : i32
    %mul3A_412 = vector.broadcast %mul3A_411 : i32 to vector<16xi32>
    %mul3A_413 = arith.muli %min3A_410, %mul3A_412 : vector<16xi32>
    %add3A_414 = arith.constant 0 : i32
    %add3A_415 = vector.broadcast %add3A_414 : i32 to vector<16xi32>
    %add3A_416 = arith.addi %mul3A_413, %add3A_415 : vector<16xi32>
    %swap3A_417 = arith.constant 0 : i32
    %swap3A_418 = arith.index_cast %swap3A_417 : i32 to index
    %swap3A_419 = arith.constant 112 : index
    %swap3A_420 = tpu.vector_load %arg6[%swap3A_418, %swap3A_419] {strides = array<i32>} : memref<3x128xi32, #tpu.memory_space<vmem>>, vector<1x16xi32>,
    %swap3A_421 = vector.shape_cast %swap3A_420 : vector<1x16xi32> to vector<16xi32>
    %swap3A_422 = vector.shape_cast %add3A_416 : vector<16xi32> to vector<1x16xi32>
    tpu.vector_store %arg6[%swap3A_418, %swap3A_419], %swap3A_422 {strides = array<i32>} : memref<3x128xi32, #tpu.memory_space<vmem>>, vector<1x16xi32>,
    %add3A_423 = arith.constant 1 : i32
    %add3A_424 = vector.broadcast %add3A_423 : i32 to vector<16xi32>
    %add3A_425 = arith.addi %mul3A_413, %add3A_424 : vector<16xi32>
    %swap3A_426 = arith.constant 1 : i32
    %swap3A_427 = arith.index_cast %swap3A_426 : i32 to index
    %swap3A_428 = arith.constant 112 : index
    %swap3A_429 = tpu.vector_load %arg6[%swap3A_427, %swap3A_428] {strides = array<i32>} : memref<3x128xi32, #tpu.memory_space<vmem>>, vector<1x16xi32>,
    %swap3A_430 = vector.shape_cast %swap3A_429 : vector<1x16xi32> to vector<16xi32>
    %swap3A_431 = vector.shape_cast %add3A_425 : vector<16xi32> to vector<1x16xi32>
    tpu.vector_store %arg6[%swap3A_427, %swap3A_428], %swap3A_431 {strides = array<i32>} : memref<3x128xi32, #tpu.memory_space<vmem>>, vector<1x16xi32>,
    %add3A_432 = arith.constant 2 : i32
    %add3A_433 = vector.broadcast %add3A_432 : i32 to vector<16xi32>
    %add3A_434 = arith.addi %mul3A_413, %add3A_433 : vector<16xi32>
    %swap3A_435 = arith.constant 2 : i32
    %swap3A_436 = arith.index_cast %swap3A_435 : i32 to index
    %swap3A_437 = arith.constant 112 : index
    %swap3A_438 = tpu.vector_load %arg6[%swap3A_436, %swap3A_437] {strides = array<i32>} : memref<3x128xi32, #tpu.memory_space<vmem>>, vector<1x16xi32>,
    %swap3A_439 = vector.shape_cast %swap3A_438 : vector<1x16xi32> to vector<16xi32>
    %swap3A_440 = vector.shape_cast %add3A_434 : vector<16xi32> to vector<1x16xi32>
    tpu.vector_store %arg6[%swap3A_436, %swap3A_437], %swap3A_440 {strides = array<i32>} : memref<3x128xi32, #tpu.memory_space<vmem>>, vector<1x16xi32>,
    %dma_start3A = arith.constant 0 : i32
    %dma_start3A_441 = arith.constant 0 : i32
    %dma_start3A_442 = arith.constant 0 : i32
    %dma_start3A_443 = tpu.memref_slice %arg7[%dma_start3A_441, %dma_start3A_442] : memref<3x128xf32, #tpu.memory_space<vmem>> -> memref<1x128xf32, #tpu.memory_space<vmem>>
    %dma_start3A_444 = tpu.memref_squeeze %dma_start3A_443 : memref<1x128xf32, #tpu.memory_space<vmem>> -> memref<128xf32, #tpu.memory_space<vmem>>
    %dma_start3A_445 = arith.constant 0 : i32
    %dma_start3A_446 = tpu.memref_slice %arg6[%dma_start3A, %dma_start3A_445] : memref<3x128xi32, #tpu.memory_space<vmem>> -> memref<1x128xi32, #tpu.memory_space<vmem>>
    %dma_start3A_447 = tpu.memref_squeeze %dma_start3A_446 : memref<1x128xi32, #tpu.memory_space<vmem>> -> memref<128xi32, #tpu.memory_space<vmem>>
    %dma_start3A_448 = arith.constant 0 : i32
    %dma_start3A_449 = tpu.memref_slice %arg3[%dma_start3A_448] : memref<30000xf32, #tpu.memory_space<hbm>> -> memref<30000xf32, #tpu.memory_space<hbm>>
    tpu.enqueue_indirect_dma source(%dma_start3A_449 : memref<30000xf32, #tpu.memory_space<hbm>>) target(%dma_start3A_444 : memref<128xf32, #tpu.memory_space<vmem>>) offsets(%dma_start3A_447 : memref<128xi32, #tpu.memory_space<vmem>>) semaphore(%arg8 : memref<!tpu.dma_semaphore, #tpu.memory_space<semaphore_mem>>)
    %dma_wait3A = arith.constant 0 : i32
    %dma_wait3A_450 = arith.constant 0 : i32
    %dma_wait3A_451 = arith.constant 0 : i32
    %dma_wait3A_452 = tpu.memref_slice %arg7[%dma_wait3A_450, %dma_wait3A_451] : memref<3x128xf32, #tpu.memory_space<vmem>> -> memref<1x128xf32, #tpu.memory_space<vmem>>
    %dma_wait3A_453 = tpu.memref_squeeze %dma_wait3A_452 : memref<1x128xf32, #tpu.memory_space<vmem>> -> memref<128xf32, #tpu.memory_space<vmem>>
    %dma_wait3A_454 = arith.constant 0 : i32
    %dma_wait3A_455 = tpu.memref_slice %arg6[%dma_wait3A, %dma_wait3A_454] : memref<3x128xi32, #tpu.memory_space<vmem>> -> memref<1x128xi32, #tpu.memory_space<vmem>>
    %dma_wait3A_456 = tpu.memref_squeeze %dma_wait3A_455 : memref<1x128xi32, #tpu.memory_space<vmem>> -> memref<128xi32, #tpu.memory_space<vmem>>
    %dma_wait3A_457 = arith.constant 0 : i32
    %dma_wait3A_458 = tpu.memref_slice %arg3[%dma_wait3A_457] : memref<30000xf32, #tpu.memory_space<hbm>> -> memref<30000xf32, #tpu.memory_space<hbm>>
    tpu.wait_indirect_dma semaphore(%arg8 : memref<!tpu.dma_semaphore, #tpu.memory_space<semaphore_mem>>) src(%dma_wait3A_458 : memref<30000xf32, #tpu.memory_space<hbm>>) dst(%dma_wait3A_453 : memref<128xf32, #tpu.memory_space<vmem>>)
    %dma_start3A_459 = arith.constant 1 : i32
    %dma_start3A_460 = arith.constant 1 : i32
    %dma_start3A_461 = arith.constant 0 : i32
    %dma_start3A_462 = tpu.memref_slice %arg7[%dma_start3A_460, %dma_start3A_461] : memref<3x128xf32, #tpu.memory_space<vmem>> -> memref<1x128xf32, #tpu.memory_space<vmem>>
    %dma_start3A_463 = tpu.memref_squeeze %dma_start3A_462 : memref<1x128xf32, #tpu.memory_space<vmem>> -> memref<128xf32, #tpu.memory_space<vmem>>
    %dma_start3A_464 = arith.constant 0 : i32
    %dma_start3A_465 = tpu.memref_slice %arg6[%dma_start3A_459, %dma_start3A_464] : memref<3x128xi32, #tpu.memory_space<vmem>> -> memref<1x128xi32, #tpu.memory_space<vmem>>
    %dma_start3A_466 = tpu.memref_squeeze %dma_start3A_465 : memref<1x128xi32, #tpu.memory_space<vmem>> -> memref<128xi32, #tpu.memory_space<vmem>>
    %dma_start3A_467 = arith.constant 0 : i32
    %dma_start3A_468 = tpu.memref_slice %arg3[%dma_start3A_467] : memref<30000xf32, #tpu.memory_space<hbm>> -> memref<30000xf32, #tpu.memory_space<hbm>>
    tpu.enqueue_indirect_dma source(%dma_start3A_468 : memref<30000xf32, #tpu.memory_space<hbm>>) target(%dma_start3A_463 : memref<128xf32, #tpu.memory_space<vmem>>) offsets(%dma_start3A_466 : memref<128xi32, #tpu.memory_space<vmem>>) semaphore(%arg8 : memref<!tpu.dma_semaphore, #tpu.memory_space<semaphore_mem>>)
    %dma_wait3A_469 = arith.constant 1 : i32
    %dma_wait3A_470 = arith.constant 1 : i32
    %dma_wait3A_471 = arith.constant 0 : i32
    %dma_wait3A_472 = tpu.memref_slice %arg7[%dma_wait3A_470, %dma_wait3A_471] : memref<3x128xf32, #tpu.memory_space<vmem>> -> memref<1x128xf32, #tpu.memory_space<vmem>>
    %dma_wait3A_473 = tpu.memref_squeeze %dma_wait3A_472 : memref<1x128xf32, #tpu.memory_space<vmem>> -> memref<128xf32, #tpu.memory_space<vmem>>
    %dma_wait3A_474 = arith.constant 0 : i32
    %dma_wait3A_475 = tpu.memref_slice %arg6[%dma_wait3A_469, %dma_wait3A_474] : memref<3x128xi32, #tpu.memory_space<vmem>> -> memref<1x128xi32, #tpu.memory_space<vmem>>
    %dma_wait3A_476 = tpu.memref_squeeze %dma_wait3A_475 : memref<1x128xi32, #tpu.memory_space<vmem>> -> memref<128xi32, #tpu.memory_space<vmem>>
    %dma_wait3A_477 = arith.constant 0 : i32
    %dma_wait3A_478 = tpu.memref_slice %arg3[%dma_wait3A_477] : memref<30000xf32, #tpu.memory_space<hbm>> -> memref<30000xf32, #tpu.memory_space<hbm>>
    tpu.wait_indirect_dma semaphore(%arg8 : memref<!tpu.dma_semaphore, #tpu.memory_space<semaphore_mem>>) src(%dma_wait3A_478 : memref<30000xf32, #tpu.memory_space<hbm>>) dst(%dma_wait3A_473 : memref<128xf32, #tpu.memory_space<vmem>>)
    %dma_start3A_479 = arith.constant 2 : i32
    %dma_start3A_480 = arith.constant 2 : i32
    %dma_start3A_481 = arith.constant 0 : i32
    %dma_start3A_482 = tpu.memref_slice %arg7[%dma_start3A_480, %dma_start3A_481] : memref<3x128xf32, #tpu.memory_space<vmem>> -> memref<1x128xf32, #tpu.memory_space<vmem>>
    %dma_start3A_483 = tpu.memref_squeeze %dma_start3A_482 : memref<1x128xf32, #tpu.memory_space<vmem>> -> memref<128xf32, #tpu.memory_space<vmem>>
    %dma_start3A_484 = arith.constant 0 : i32
    %dma_start3A_485 = tpu.memref_slice %arg6[%dma_start3A_479, %dma_start3A_484] : memref<3x128xi32, #tpu.memory_space<vmem>> -> memref<1x128xi32, #tpu.memory_space<vmem>>
    %dma_start3A_486 = tpu.memref_squeeze %dma_start3A_485 : memref<1x128xi32, #tpu.memory_space<vmem>> -> memref<128xi32, #tpu.memory_space<vmem>>
    %dma_start3A_487 = arith.constant 0 : i32
    %dma_start3A_488 = tpu.memref_slice %arg3[%dma_start3A_487] : memref<30000xf32, #tpu.memory_space<hbm>> -> memref<30000xf32, #tpu.memory_space<hbm>>
    tpu.enqueue_indirect_dma source(%dma_start3A_488 : memref<30000xf32, #tpu.memory_space<hbm>>) target(%dma_start3A_483 : memref<128xf32, #tpu.memory_space<vmem>>) offsets(%dma_start3A_486 : memref<128xi32, #tpu.memory_space<vmem>>) semaphore(%arg8 : memref<!tpu.dma_semaphore, #tpu.memory_space<semaphore_mem>>)
    %dma_wait3A_489 = arith.constant 2 : i32
    %dma_wait3A_490 = arith.constant 2 : i32
    %dma_wait3A_491 = arith.constant 0 : i32
    %dma_wait3A_492 = tpu.memref_slice %arg7[%dma_wait3A_490, %dma_wait3A_491] : memref<3x128xf32, #tpu.memory_space<vmem>> -> memref<1x128xf32, #tpu.memory_space<vmem>>
    %dma_wait3A_493 = tpu.memref_squeeze %dma_wait3A_492 : memref<1x128xf32, #tpu.memory_space<vmem>> -> memref<128xf32, #tpu.memory_space<vmem>>
    %dma_wait3A_494 = arith.constant 0 : i32
    %dma_wait3A_495 = tpu.memref_slice %arg6[%dma_wait3A_489, %dma_wait3A_494] : memref<3x128xi32, #tpu.memory_space<vmem>> -> memref<1x128xi32, #tpu.memory_space<vmem>>
    %dma_wait3A_496 = tpu.memref_squeeze %dma_wait3A_495 : memref<1x128xi32, #tpu.memory_space<vmem>> -> memref<128xi32, #tpu.memory_space<vmem>>
    %dma_wait3A_497 = arith.constant 0 : i32
    %dma_wait3A_498 = tpu.memref_slice %arg3[%dma_wait3A_497] : memref<30000xf32, #tpu.memory_space<hbm>> -> memref<30000xf32, #tpu.memory_space<hbm>>
    tpu.wait_indirect_dma semaphore(%arg8 : memref<!tpu.dma_semaphore, #tpu.memory_space<semaphore_mem>>) src(%dma_wait3A_498 : memref<30000xf32, #tpu.memory_space<hbm>>) dst(%dma_wait3A_493 : memref<128xf32, #tpu.memory_space<vmem>>)
    "tpu.region"() ({
      %run_scoped3A = tpu.sem_alloc : memref<!tpu.dma_semaphore, #tpu.memory_space<semaphore_mem>>
      %dma_start3A_499 = arith.constant 0 : i32
      %dma_start3A_500 = tpu.memref_slice %arg4[%dma_start3A_499, %mul3A_2] : memref<3x4096xf32, #tpu.memory_space<hbm>> -> memref<3x128xf32, #tpu.memory_space<hbm>>
      %dma_start3A_501 = arith.constant 0 : i32
      %dma_start3A_502 = tpu.memref_slice %arg4[%dma_start3A_501, %mul3A_2] : memref<3x4096xf32, #tpu.memory_space<hbm>> -> memref<3x128xf32, #tpu.memory_space<hbm>>
      tpu.enqueue_dma source(%arg7 : memref<3x128xf32, #tpu.memory_space<vmem>>) target(%dma_start3A_502 : memref<3x128xf32, #tpu.memory_space<hbm>>) target_semaphore(%run_scoped3A : memref<!tpu.dma_semaphore, #tpu.memory_space<semaphore_mem>>)
      %dma_wait3A_503 = arith.constant 0 : i32
      %dma_wait3A_504 = tpu.memref_slice %arg4[%dma_wait3A_503, %mul3A_2] : memref<3x4096xf32, #tpu.memory_space<hbm>> -> memref<3x128xf32, #tpu.memory_space<hbm>>
      %dma_wait3A_505 = arith.constant 0 : i32
      %dma_wait3A_506 = tpu.memref_slice %arg4[%dma_wait3A_505, %mul3A_2] : memref<3x4096xf32, #tpu.memory_space<hbm>> -> memref<3x128xf32, #tpu.memory_space<hbm>>
      tpu.wait_dma2 semaphore(%run_scoped3A : memref<!tpu.dma_semaphore, #tpu.memory_space<semaphore_mem>>) src(%arg7 : memref<3x128xf32, #tpu.memory_space<vmem>>) dst(%dma_wait3A_506 : memref<3x128xf32, #tpu.memory_space<hbm>>)
      tpu.yield
    }) : () -> ()
    return
  }
}

module attributes {stable_mosaic.version = 14 : i64} {
  func.func @_prep_body(%arg0: memref<3x100x100xf32, #tpu.memory_space<vmem>>, %arg1: memref<3x100x100xf32, #tpu.memory_space<vmem>>, %arg2: memref<100x100xf32, #tpu.memory_space<vmem>>, %arg3: memref<100x100xf32, #tpu.memory_space<vmem>>, %arg4: memref<100x100xf32, #tpu.memory_space<vmem>>, %arg5: memref<100x100xf32, #tpu.memory_space<vmem>>, %arg6: memref<3x100x100xf32, #tpu.memory_space<vmem>>, %arg7: memref<3x100x100xf32, #tpu.memory_space<vmem>>) attributes {dimension_semantics = [], scalar_prefetch = 0 : i64, scratch_operands = 0 : i64, tpu.core_type = #tpu.core_type<tc>} {
    %get3A = arith.constant 0 : index
    %get3A_0 = arith.constant 0 : index
    %get3A_1 = vector.load %arg2[%get3A, %get3A_0] : memref<100x100xf32, #tpu.memory_space<vmem>>, vector<100x100xf32>
    %get3A_2 = arith.constant 0 : index
    %get3A_3 = arith.constant 0 : index
    %get3A_4 = vector.load %arg3[%get3A_2, %get3A_3] : memref<100x100xf32, #tpu.memory_space<vmem>>, vector<100x100xf32>
    %get3A_5 = arith.constant 0 : index
    %get3A_6 = arith.constant 0 : index
    %get3A_7 = vector.load %arg4[%get3A_5, %get3A_6] : memref<100x100xf32, #tpu.memory_space<vmem>>, vector<100x100xf32>
    %get3A_8 = arith.constant 0 : index
    %get3A_9 = arith.constant 0 : index
    %get3A_10 = vector.load %arg5[%get3A_8, %get3A_9] : memref<100x100xf32, #tpu.memory_space<vmem>>, vector<100x100xf32>
    %get3A_11 = arith.constant 0 : index
    %get3A_12 = arith.constant 0 : index
    %get3A_13 = arith.constant 0 : index
    %get3A_14 = vector.load %arg0[%get3A_11, %get3A_12, %get3A_13] : memref<3x100x100xf32, #tpu.memory_space<vmem>>, vector<1x100x100xf32>
    %get3A_15 = vector.shape_cast %get3A_14 : vector<1x100x100xf32> to vector<100x100xf32>
    %get3A_16 = arith.constant 0 : index
    %get3A_17 = arith.constant 0 : index
    %get3A_18 = arith.constant 0 : index
    %get3A_19 = vector.load %arg1[%get3A_16, %get3A_17, %get3A_18] : memref<3x100x100xf32, #tpu.memory_space<vmem>>, vector<1x100x100xf32>
    %get3A_20 = vector.shape_cast %get3A_19 : vector<1x100x100xf32> to vector<100x100xf32>
    %dot_general3A = arith.constant dense<0.000000e+00> : vector<100x100xf32>
    %dot_general3A_21 = tpu.matmul %get3A_15, %get3A_1, %dot_general3A {dimension_numbers = #tpu.dot_dimension_numbers<[1], [0], [0], [1], [0, 0, 1, 1], [], []>, transpose_lhs_hint = false} : vector<100x100xf32>, vector<100x100xf32>, vector<100x100xf32> -> vector<100x100xf32>
    %dot_general3A_22 = arith.constant dense<0.000000e+00> : vector<100x100xf32>
    %dot_general3A_23 = tpu.matmul %get3A_15, %get3A_4, %dot_general3A_22 {dimension_numbers = #tpu.dot_dimension_numbers<[1], [0], [0], [1], [0, 0, 1, 1], [], []>, transpose_lhs_hint = false} : vector<100x100xf32>, vector<100x100xf32>, vector<100x100xf32> -> vector<100x100xf32>
    %neg3A = arith.constant 0.000000e+00 : f32
    %neg3A_24 = vector.broadcast %neg3A : f32 to vector<100x100xf32>
    %neg3A_25 = arith.subf %neg3A_24, %dot_general3A_23 : vector<100x100xf32>
    %mul3A = arith.mulf %dot_general3A_21, %get3A_7 : vector<100x100xf32>
    %mul3A_26 = arith.mulf %neg3A_25, %get3A_10 : vector<100x100xf32>
    %add3A = arith.addf %mul3A, %mul3A_26 : vector<100x100xf32>
    %mul3A_27 = arith.mulf %neg3A_25, %get3A_7 : vector<100x100xf32>
    %mul3A_28 = arith.mulf %dot_general3A_21, %get3A_10 : vector<100x100xf32>
    %sub3A = arith.subf %mul3A_27, %mul3A_28 : vector<100x100xf32>
    %dot_general3A_29 = arith.constant dense<0.000000e+00> : vector<100x100xf32>
    %dot_general3A_30 = tpu.matmul %get3A_1, %add3A, %dot_general3A_29 {dimension_numbers = #tpu.dot_dimension_numbers<[1], [0], [0], [1], [0, 0, 1, 1], [], []>, transpose_lhs_hint = false} : vector<100x100xf32>, vector<100x100xf32>, vector<100x100xf32> -> vector<100x100xf32>
    %dot_general3A_31 = arith.constant dense<0.000000e+00> : vector<100x100xf32>
    %dot_general3A_32 = tpu.matmul %get3A_4, %sub3A, %dot_general3A_31 {dimension_numbers = #tpu.dot_dimension_numbers<[1], [0], [0], [1], [0, 0, 1, 1], [], []>, transpose_lhs_hint = false} : vector<100x100xf32>, vector<100x100xf32>, vector<100x100xf32> -> vector<100x100xf32>
    %add3A_33 = arith.addf %dot_general3A_30, %dot_general3A_32 : vector<100x100xf32>
    %dot_general3A_34 = arith.constant dense<0.000000e+00> : vector<100x100xf32>
    %dot_general3A_35 = tpu.matmul %get3A_1, %sub3A, %dot_general3A_34 {dimension_numbers = #tpu.dot_dimension_numbers<[1], [0], [0], [1], [0, 0, 1, 1], [], []>, transpose_lhs_hint = false} : vector<100x100xf32>, vector<100x100xf32>, vector<100x100xf32> -> vector<100x100xf32>
    %dot_general3A_36 = arith.constant dense<0.000000e+00> : vector<100x100xf32>
    %dot_general3A_37 = tpu.matmul %get3A_4, %add3A, %dot_general3A_36 {dimension_numbers = #tpu.dot_dimension_numbers<[1], [0], [0], [1], [0, 0, 1, 1], [], []>, transpose_lhs_hint = false} : vector<100x100xf32>, vector<100x100xf32>, vector<100x100xf32> -> vector<100x100xf32>
    %sub3A_38 = arith.subf %dot_general3A_35, %dot_general3A_37 : vector<100x100xf32>
    %dot_general3A_39 = arith.constant dense<0.000000e+00> : vector<100x100xf32>
    %dot_general3A_40 = tpu.matmul %get3A_20, %get3A_1, %dot_general3A_39 {dimension_numbers = #tpu.dot_dimension_numbers<[1], [0], [0], [1], [0, 0, 1, 1], [], []>, transpose_lhs_hint = false} : vector<100x100xf32>, vector<100x100xf32>, vector<100x100xf32> -> vector<100x100xf32>
    %dot_general3A_41 = arith.constant dense<0.000000e+00> : vector<100x100xf32>
    %dot_general3A_42 = tpu.matmul %get3A_20, %get3A_4, %dot_general3A_41 {dimension_numbers = #tpu.dot_dimension_numbers<[1], [0], [0], [1], [0, 0, 1, 1], [], []>, transpose_lhs_hint = false} : vector<100x100xf32>, vector<100x100xf32>, vector<100x100xf32> -> vector<100x100xf32>
    %neg3A_43 = arith.constant 0.000000e+00 : f32
    %neg3A_44 = vector.broadcast %neg3A_43 : f32 to vector<100x100xf32>
    %neg3A_45 = arith.subf %neg3A_44, %dot_general3A_42 : vector<100x100xf32>
    %mul3A_46 = arith.mulf %dot_general3A_40, %get3A_7 : vector<100x100xf32>
    %mul3A_47 = arith.mulf %neg3A_45, %get3A_10 : vector<100x100xf32>
    %add3A_48 = arith.addf %mul3A_46, %mul3A_47 : vector<100x100xf32>
    %mul3A_49 = arith.mulf %neg3A_45, %get3A_7 : vector<100x100xf32>
    %mul3A_50 = arith.mulf %dot_general3A_40, %get3A_10 : vector<100x100xf32>
    %sub3A_51 = arith.subf %mul3A_49, %mul3A_50 : vector<100x100xf32>
    %dot_general3A_52 = arith.constant dense<0.000000e+00> : vector<100x100xf32>
    %dot_general3A_53 = tpu.matmul %get3A_1, %add3A_48, %dot_general3A_52 {dimension_numbers = #tpu.dot_dimension_numbers<[1], [0], [0], [1], [0, 0, 1, 1], [], []>, transpose_lhs_hint = false} : vector<100x100xf32>, vector<100x100xf32>, vector<100x100xf32> -> vector<100x100xf32>
    %dot_general3A_54 = arith.constant dense<0.000000e+00> : vector<100x100xf32>
    %dot_general3A_55 = tpu.matmul %get3A_4, %sub3A_51, %dot_general3A_54 {dimension_numbers = #tpu.dot_dimension_numbers<[1], [0], [0], [1], [0, 0, 1, 1], [], []>, transpose_lhs_hint = false} : vector<100x100xf32>, vector<100x100xf32>, vector<100x100xf32> -> vector<100x100xf32>
    %add3A_56 = arith.addf %dot_general3A_53, %dot_general3A_55 : vector<100x100xf32>
    %dot_general3A_57 = arith.constant dense<0.000000e+00> : vector<100x100xf32>
    %dot_general3A_58 = tpu.matmul %get3A_1, %sub3A_51, %dot_general3A_57 {dimension_numbers = #tpu.dot_dimension_numbers<[1], [0], [0], [1], [0, 0, 1, 1], [], []>, transpose_lhs_hint = false} : vector<100x100xf32>, vector<100x100xf32>, vector<100x100xf32> -> vector<100x100xf32>
    %dot_general3A_59 = arith.constant dense<0.000000e+00> : vector<100x100xf32>
    %dot_general3A_60 = tpu.matmul %get3A_4, %add3A_48, %dot_general3A_59 {dimension_numbers = #tpu.dot_dimension_numbers<[1], [0], [0], [1], [0, 0, 1, 1], [], []>, transpose_lhs_hint = false} : vector<100x100xf32>, vector<100x100xf32>, vector<100x100xf32> -> vector<100x100xf32>
    %sub3A_61 = arith.subf %dot_general3A_58, %dot_general3A_60 : vector<100x100xf32>
    %mul3A_62 = arith.mulf %add3A_33, %add3A_56 : vector<100x100xf32>
    %mul3A_63 = arith.mulf %sub3A_38, %sub3A_61 : vector<100x100xf32>
    %add3A_64 = arith.addf %mul3A_62, %mul3A_63 : vector<100x100xf32>
    %mul3A_65 = arith.mulf %add3A_33, %sub3A_61 : vector<100x100xf32>
    %mul3A_66 = arith.mulf %sub3A_38, %add3A_56 : vector<100x100xf32>
    %sub3A_67 = arith.subf %mul3A_65, %mul3A_66 : vector<100x100xf32>
    %dot_general3A_68 = arith.constant dense<0.000000e+00> : vector<100x100xf32>
    %dot_general3A_69 = tpu.matmul %get3A_1, %add3A_64, %dot_general3A_68 {dimension_numbers = #tpu.dot_dimension_numbers<[1], [0], [0], [1], [0, 0, 1, 1], [], []>, transpose_lhs_hint = false} : vector<100x100xf32>, vector<100x100xf32>, vector<100x100xf32> -> vector<100x100xf32>
    %dot_general3A_70 = arith.constant dense<0.000000e+00> : vector<100x100xf32>
    %dot_general3A_71 = tpu.matmul %get3A_4, %sub3A_67, %dot_general3A_70 {dimension_numbers = #tpu.dot_dimension_numbers<[1], [0], [0], [1], [0, 0, 1, 1], [], []>, transpose_lhs_hint = false} : vector<100x100xf32>, vector<100x100xf32>, vector<100x100xf32> -> vector<100x100xf32>
    %sub3A_72 = arith.subf %dot_general3A_69, %dot_general3A_71 : vector<100x100xf32>
    %dot_general3A_73 = arith.constant dense<0.000000e+00> : vector<100x100xf32>
    %dot_general3A_74 = tpu.matmul %get3A_1, %sub3A_67, %dot_general3A_73 {dimension_numbers = #tpu.dot_dimension_numbers<[1], [0], [0], [1], [0, 0, 1, 1], [], []>, transpose_lhs_hint = false} : vector<100x100xf32>, vector<100x100xf32>, vector<100x100xf32> -> vector<100x100xf32>
    %dot_general3A_75 = arith.constant dense<0.000000e+00> : vector<100x100xf32>
    %dot_general3A_76 = tpu.matmul %get3A_4, %add3A_64, %dot_general3A_75 {dimension_numbers = #tpu.dot_dimension_numbers<[1], [0], [0], [1], [0, 0, 1, 1], [], []>, transpose_lhs_hint = false} : vector<100x100xf32>, vector<100x100xf32>, vector<100x100xf32> -> vector<100x100xf32>
    %add3A_77 = arith.addf %dot_general3A_74, %dot_general3A_76 : vector<100x100xf32>
    %mul3A_78 = arith.mulf %sub3A_72, %get3A_7 : vector<100x100xf32>
    %mul3A_79 = arith.mulf %add3A_77, %get3A_10 : vector<100x100xf32>
    %sub3A_80 = arith.subf %mul3A_78, %mul3A_79 : vector<100x100xf32>
    %mul3A_81 = arith.mulf %sub3A_72, %get3A_10 : vector<100x100xf32>
    %mul3A_82 = arith.mulf %add3A_77, %get3A_7 : vector<100x100xf32>
    %add3A_83 = arith.addf %mul3A_81, %mul3A_82 : vector<100x100xf32>
    %dot_general3A_84 = arith.constant dense<0.000000e+00> : vector<100x100xf32>
    %dot_general3A_85 = tpu.matmul %sub3A_80, %get3A_1, %dot_general3A_84 {dimension_numbers = #tpu.dot_dimension_numbers<[1], [0], [0], [1], [0, 0, 1, 1], [], []>, transpose_lhs_hint = false} : vector<100x100xf32>, vector<100x100xf32>, vector<100x100xf32> -> vector<100x100xf32>
    %dot_general3A_86 = arith.constant dense<0.000000e+00> : vector<100x100xf32>
    %dot_general3A_87 = tpu.matmul %add3A_83, %get3A_4, %dot_general3A_86 {dimension_numbers = #tpu.dot_dimension_numbers<[1], [0], [0], [1], [0, 0, 1, 1], [], []>, transpose_lhs_hint = false} : vector<100x100xf32>, vector<100x100xf32>, vector<100x100xf32> -> vector<100x100xf32>
    %sub3A_88 = arith.subf %dot_general3A_85, %dot_general3A_87 : vector<100x100xf32>
    %mul3A_89 = arith.constant 9.99999974E-5 : f32
    %mul3A_90 = vector.broadcast %mul3A_89 : f32 to vector<100x100xf32>
    %mul3A_91 = arith.mulf %sub3A_88, %mul3A_90 : vector<100x100xf32>
    %reduce_sum3A = vector.shape_cast %mul3A_91 : vector<100x100xf32> to vector<1x100x100xf32>
    %reduce_sum3A_92 = arith.constant dense<0.000000e+00> : vector<1xf32>
    %reduce_sum3A_93 = vector.multi_reduction <add>, %reduce_sum3A, %reduce_sum3A_92 [1, 2] : vector<1x100x100xf32> to vector<1xf32>
    %reduce_sum3A_94 = vector.shape_cast %reduce_sum3A_93 : vector<1xf32> to vector<1x1x1xf32>
    %reduce_sum3A_95 = vector.extract %reduce_sum3A_94[0, 0, 0] : f32 from vector<1x1x1xf32>
    %div3A = arith.constant 1.000000e+04 : f32
    %div3A_96 = arith.divf %reduce_sum3A_95, %div3A : f32
    %sub3A_97 = vector.broadcast %div3A_96 : f32 to vector<100x100xf32>
    %sub3A_98 = arith.subf %mul3A_91, %sub3A_97 : vector<100x100xf32>
    %mul3A_99 = arith.mulf %sub3A_98, %sub3A_98 : vector<100x100xf32>
    %reduce_sum3A_100 = vector.shape_cast %mul3A_99 : vector<100x100xf32> to vector<1x100x100xf32>
    %reduce_sum3A_101 = arith.constant dense<0.000000e+00> : vector<1xf32>
    %reduce_sum3A_102 = vector.multi_reduction <add>, %reduce_sum3A_100, %reduce_sum3A_101 [1, 2] : vector<1x100x100xf32> to vector<1xf32>
    %reduce_sum3A_103 = vector.shape_cast %reduce_sum3A_102 : vector<1xf32> to vector<1x1x1xf32>
    %reduce_sum3A_104 = vector.extract %reduce_sum3A_103[0, 0, 0] : f32 from vector<1x1x1xf32>
    %mul3A_105 = arith.constant 1.000100e-04 : f32
    %mul3A_106 = arith.mulf %reduce_sum3A_104, %mul3A_105 : f32
    %sqrt3A = math.sqrt %mul3A_106 : f32
    %div3A_107 = vector.broadcast %sqrt3A : f32 to vector<100x100xf32>
    %div3A_108 = arith.divf %sub3A_98, %div3A_107 : vector<100x100xf32>
    %swap3A = arith.constant 0 : index
    %swap3A_109 = arith.constant 0 : index
    %swap3A_110 = arith.constant 0 : index
    %swap3A_111 = vector.load %arg6[%swap3A, %swap3A_109, %swap3A_110] : memref<3x100x100xf32, #tpu.memory_space<vmem>>, vector<1x100x100xf32>
    %swap3A_112 = vector.shape_cast %swap3A_111 : vector<1x100x100xf32> to vector<100x100xf32>
    %swap3A_113 = vector.shape_cast %div3A_108 : vector<100x100xf32> to vector<1x100x100xf32>
    tpu.vector_store %arg6[%swap3A, %swap3A_109, %swap3A_110], %swap3A_113 {strides = array<i32>} : memref<3x100x100xf32, #tpu.memory_space<vmem>>, vector<1x100x100xf32>,
    %reduce_sum3A_114 = vector.shape_cast %get3A_20 : vector<100x100xf32> to vector<1x100x100xf32>
    %reduce_sum3A_115 = arith.constant dense<0.000000e+00> : vector<1xf32>
    %reduce_sum3A_116 = vector.multi_reduction <add>, %reduce_sum3A_114, %reduce_sum3A_115 [1, 2] : vector<1x100x100xf32> to vector<1xf32>
    %reduce_sum3A_117 = vector.shape_cast %reduce_sum3A_116 : vector<1xf32> to vector<1x1x1xf32>
    %reduce_sum3A_118 = vector.extract %reduce_sum3A_117[0, 0, 0] : f32 from vector<1x1x1xf32>
    %mul3A_119 = arith.constant 6.67128202E-12 : f32
    %mul3A_120 = arith.mulf %reduce_sum3A_118, %mul3A_119 : f32
    %mul3A_121 = arith.constant 6.67128202E-12 : f32
    %mul3A_122 = vector.broadcast %mul3A_121 : f32 to vector<100x100xf32>
    %mul3A_123 = arith.mulf %mul3A_91, %mul3A_122 : vector<100x100xf32>
    %mul3A_124 = arith.constant 1.000000e+06 : f32
    %mul3A_125 = arith.mulf %mul3A_124, %mul3A_120 : f32
    %add3A_126 = vector.broadcast %mul3A_125 : f32 to vector<100x100xf32>
    %add3A_127 = arith.addf %mul3A_123, %add3A_126 : vector<100x100xf32>
    %swap3A_128 = arith.constant 0 : index
    %swap3A_129 = arith.constant 0 : index
    %swap3A_130 = arith.constant 0 : index
    %swap3A_131 = vector.load %arg7[%swap3A_128, %swap3A_129, %swap3A_130] : memref<3x100x100xf32, #tpu.memory_space<vmem>>, vector<1x100x100xf32>
    %swap3A_132 = vector.shape_cast %swap3A_131 : vector<1x100x100xf32> to vector<100x100xf32>
    %swap3A_133 = vector.shape_cast %add3A_127 : vector<100x100xf32> to vector<1x100x100xf32>
    tpu.vector_store %arg7[%swap3A_128, %swap3A_129, %swap3A_130], %swap3A_133 {strides = array<i32>} : memref<3x100x100xf32, #tpu.memory_space<vmem>>, vector<1x100x100xf32>,
    %get3A_134 = arith.constant 1 : index
    %get3A_135 = arith.constant 0 : index
    %get3A_136 = arith.constant 0 : index
    %get3A_137 = vector.load %arg0[%get3A_134, %get3A_135, %get3A_136] : memref<3x100x100xf32, #tpu.memory_space<vmem>>, vector<1x100x100xf32>
    %get3A_138 = vector.shape_cast %get3A_137 : vector<1x100x100xf32> to vector<100x100xf32>
    %get3A_139 = arith.constant 1 : index
    %get3A_140 = arith.constant 0 : index
    %get3A_141 = arith.constant 0 : index
    %get3A_142 = vector.load %arg1[%get3A_139, %get3A_140, %get3A_141] : memref<3x100x100xf32, #tpu.memory_space<vmem>>, vector<1x100x100xf32>
    %get3A_143 = vector.shape_cast %get3A_142 : vector<1x100x100xf32> to vector<100x100xf32>
    %dot_general3A_144 = arith.constant dense<0.000000e+00> : vector<100x100xf32>
    %dot_general3A_145 = tpu.matmul %get3A_138, %get3A_1, %dot_general3A_144 {dimension_numbers = #tpu.dot_dimension_numbers<[1], [0], [0], [1], [0, 0, 1, 1], [], []>, transpose_lhs_hint = false} : vector<100x100xf32>, vector<100x100xf32>, vector<100x100xf32> -> vector<100x100xf32>
    %dot_general3A_146 = arith.constant dense<0.000000e+00> : vector<100x100xf32>
    %dot_general3A_147 = tpu.matmul %get3A_138, %get3A_4, %dot_general3A_146 {dimension_numbers = #tpu.dot_dimension_numbers<[1], [0], [0], [1], [0, 0, 1, 1], [], []>, transpose_lhs_hint = false} : vector<100x100xf32>, vector<100x100xf32>, vector<100x100xf32> -> vector<100x100xf32>
    %neg3A_148 = arith.constant 0.000000e+00 : f32
    %neg3A_149 = vector.broadcast %neg3A_148 : f32 to vector<100x100xf32>
    %neg3A_150 = arith.subf %neg3A_149, %dot_general3A_147 : vector<100x100xf32>
    %mul3A_151 = arith.mulf %dot_general3A_145, %get3A_7 : vector<100x100xf32>
    %mul3A_152 = arith.mulf %neg3A_150, %get3A_10 : vector<100x100xf32>
    %add3A_153 = arith.addf %mul3A_151, %mul3A_152 : vector<100x100xf32>
    %mul3A_154 = arith.mulf %neg3A_150, %get3A_7 : vector<100x100xf32>
    %mul3A_155 = arith.mulf %dot_general3A_145, %get3A_10 : vector<100x100xf32>
    %sub3A_156 = arith.subf %mul3A_154, %mul3A_155 : vector<100x100xf32>
    %dot_general3A_157 = arith.constant dense<0.000000e+00> : vector<100x100xf32>
    %dot_general3A_158 = tpu.matmul %get3A_1, %add3A_153, %dot_general3A_157 {dimension_numbers = #tpu.dot_dimension_numbers<[1], [0], [0], [1], [0, 0, 1, 1], [], []>, transpose_lhs_hint = false} : vector<100x100xf32>, vector<100x100xf32>, vector<100x100xf32> -> vector<100x100xf32>
    %dot_general3A_159 = arith.constant dense<0.000000e+00> : vector<100x100xf32>
    %dot_general3A_160 = tpu.matmul %get3A_4, %sub3A_156, %dot_general3A_159 {dimension_numbers = #tpu.dot_dimension_numbers<[1], [0], [0], [1], [0, 0, 1, 1], [], []>, transpose_lhs_hint = false} : vector<100x100xf32>, vector<100x100xf32>, vector<100x100xf32> -> vector<100x100xf32>
    %add3A_161 = arith.addf %dot_general3A_158, %dot_general3A_160 : vector<100x100xf32>
    %dot_general3A_162 = arith.constant dense<0.000000e+00> : vector<100x100xf32>
    %dot_general3A_163 = tpu.matmul %get3A_1, %sub3A_156, %dot_general3A_162 {dimension_numbers = #tpu.dot_dimension_numbers<[1], [0], [0], [1], [0, 0, 1, 1], [], []>, transpose_lhs_hint = false} : vector<100x100xf32>, vector<100x100xf32>, vector<100x100xf32> -> vector<100x100xf32>
    %dot_general3A_164 = arith.constant dense<0.000000e+00> : vector<100x100xf32>
    %dot_general3A_165 = tpu.matmul %get3A_4, %add3A_153, %dot_general3A_164 {dimension_numbers = #tpu.dot_dimension_numbers<[1], [0], [0], [1], [0, 0, 1, 1], [], []>, transpose_lhs_hint = false} : vector<100x100xf32>, vector<100x100xf32>, vector<100x100xf32> -> vector<100x100xf32>
    %sub3A_166 = arith.subf %dot_general3A_163, %dot_general3A_165 : vector<100x100xf32>
    %dot_general3A_167 = arith.constant dense<0.000000e+00> : vector<100x100xf32>
    %dot_general3A_168 = tpu.matmul %get3A_143, %get3A_1, %dot_general3A_167 {dimension_numbers = #tpu.dot_dimension_numbers<[1], [0], [0], [1], [0, 0, 1, 1], [], []>, transpose_lhs_hint = false} : vector<100x100xf32>, vector<100x100xf32>, vector<100x100xf32> -> vector<100x100xf32>
    %dot_general3A_169 = arith.constant dense<0.000000e+00> : vector<100x100xf32>
    %dot_general3A_170 = tpu.matmul %get3A_143, %get3A_4, %dot_general3A_169 {dimension_numbers = #tpu.dot_dimension_numbers<[1], [0], [0], [1], [0, 0, 1, 1], [], []>, transpose_lhs_hint = false} : vector<100x100xf32>, vector<100x100xf32>, vector<100x100xf32> -> vector<100x100xf32>
    %neg3A_171 = arith.constant 0.000000e+00 : f32
    %neg3A_172 = vector.broadcast %neg3A_171 : f32 to vector<100x100xf32>
    %neg3A_173 = arith.subf %neg3A_172, %dot_general3A_170 : vector<100x100xf32>
    %mul3A_174 = arith.mulf %dot_general3A_168, %get3A_7 : vector<100x100xf32>
    %mul3A_175 = arith.mulf %neg3A_173, %get3A_10 : vector<100x100xf32>
    %add3A_176 = arith.addf %mul3A_174, %mul3A_175 : vector<100x100xf32>
    %mul3A_177 = arith.mulf %neg3A_173, %get3A_7 : vector<100x100xf32>
    %mul3A_178 = arith.mulf %dot_general3A_168, %get3A_10 : vector<100x100xf32>
    %sub3A_179 = arith.subf %mul3A_177, %mul3A_178 : vector<100x100xf32>
    %dot_general3A_180 = arith.constant dense<0.000000e+00> : vector<100x100xf32>
    %dot_general3A_181 = tpu.matmul %get3A_1, %add3A_176, %dot_general3A_180 {dimension_numbers = #tpu.dot_dimension_numbers<[1], [0], [0], [1], [0, 0, 1, 1], [], []>, transpose_lhs_hint = false} : vector<100x100xf32>, vector<100x100xf32>, vector<100x100xf32> -> vector<100x100xf32>
    %dot_general3A_182 = arith.constant dense<0.000000e+00> : vector<100x100xf32>
    %dot_general3A_183 = tpu.matmul %get3A_4, %sub3A_179, %dot_general3A_182 {dimension_numbers = #tpu.dot_dimension_numbers<[1], [0], [0], [1], [0, 0, 1, 1], [], []>, transpose_lhs_hint = false} : vector<100x100xf32>, vector<100x100xf32>, vector<100x100xf32> -> vector<100x100xf32>
    %add3A_184 = arith.addf %dot_general3A_181, %dot_general3A_183 : vector<100x100xf32>
    %dot_general3A_185 = arith.constant dense<0.000000e+00> : vector<100x100xf32>
    %dot_general3A_186 = tpu.matmul %get3A_1, %sub3A_179, %dot_general3A_185 {dimension_numbers = #tpu.dot_dimension_numbers<[1], [0], [0], [1], [0, 0, 1, 1], [], []>, transpose_lhs_hint = false} : vector<100x100xf32>, vector<100x100xf32>, vector<100x100xf32> -> vector<100x100xf32>
    %dot_general3A_187 = arith.constant dense<0.000000e+00> : vector<100x100xf32>
    %dot_general3A_188 = tpu.matmul %get3A_4, %add3A_176, %dot_general3A_187 {dimension_numbers = #tpu.dot_dimension_numbers<[1], [0], [0], [1], [0, 0, 1, 1], [], []>, transpose_lhs_hint = false} : vector<100x100xf32>, vector<100x100xf32>, vector<100x100xf32> -> vector<100x100xf32>
    %sub3A_189 = arith.subf %dot_general3A_186, %dot_general3A_188 : vector<100x100xf32>
    %mul3A_190 = arith.mulf %add3A_161, %add3A_184 : vector<100x100xf32>
    %mul3A_191 = arith.mulf %sub3A_166, %sub3A_189 : vector<100x100xf32>
    %add3A_192 = arith.addf %mul3A_190, %mul3A_191 : vector<100x100xf32>
    %mul3A_193 = arith.mulf %add3A_161, %sub3A_189 : vector<100x100xf32>
    %mul3A_194 = arith.mulf %sub3A_166, %add3A_184 : vector<100x100xf32>
    %sub3A_195 = arith.subf %mul3A_193, %mul3A_194 : vector<100x100xf32>
    %dot_general3A_196 = arith.constant dense<0.000000e+00> : vector<100x100xf32>
    %dot_general3A_197 = tpu.matmul %get3A_1, %add3A_192, %dot_general3A_196 {dimension_numbers = #tpu.dot_dimension_numbers<[1], [0], [0], [1], [0, 0, 1, 1], [], []>, transpose_lhs_hint = false} : vector<100x100xf32>, vector<100x100xf32>, vector<100x100xf32> -> vector<100x100xf32>
    %dot_general3A_198 = arith.constant dense<0.000000e+00> : vector<100x100xf32>
    %dot_general3A_199 = tpu.matmul %get3A_4, %sub3A_195, %dot_general3A_198 {dimension_numbers = #tpu.dot_dimension_numbers<[1], [0], [0], [1], [0, 0, 1, 1], [], []>, transpose_lhs_hint = false} : vector<100x100xf32>, vector<100x100xf32>, vector<100x100xf32> -> vector<100x100xf32>
    %sub3A_200 = arith.subf %dot_general3A_197, %dot_general3A_199 : vector<100x100xf32>
    %dot_general3A_201 = arith.constant dense<0.000000e+00> : vector<100x100xf32>
    %dot_general3A_202 = tpu.matmul %get3A_1, %sub3A_195, %dot_general3A_201 {dimension_numbers = #tpu.dot_dimension_numbers<[1], [0], [0], [1], [0, 0, 1, 1], [], []>, transpose_lhs_hint = false} : vector<100x100xf32>, vector<100x100xf32>, vector<100x100xf32> -> vector<100x100xf32>
    %dot_general3A_203 = arith.constant dense<0.000000e+00> : vector<100x100xf32>
    %dot_general3A_204 = tpu.matmul %get3A_4, %add3A_192, %dot_general3A_203 {dimension_numbers = #tpu.dot_dimension_numbers<[1], [0], [0], [1], [0, 0, 1, 1], [], []>, transpose_lhs_hint = false} : vector<100x100xf32>, vector<100x100xf32>, vector<100x100xf32> -> vector<100x100xf32>
    %add3A_205 = arith.addf %dot_general3A_202, %dot_general3A_204 : vector<100x100xf32>
    %mul3A_206 = arith.mulf %sub3A_200, %get3A_7 : vector<100x100xf32>
    %mul3A_207 = arith.mulf %add3A_205, %get3A_10 : vector<100x100xf32>
    %sub3A_208 = arith.subf %mul3A_206, %mul3A_207 : vector<100x100xf32>
    %mul3A_209 = arith.mulf %sub3A_200, %get3A_10 : vector<100x100xf32>
    %mul3A_210 = arith.mulf %add3A_205, %get3A_7 : vector<100x100xf32>
    %add3A_211 = arith.addf %mul3A_209, %mul3A_210 : vector<100x100xf32>
    %dot_general3A_212 = arith.constant dense<0.000000e+00> : vector<100x100xf32>
    %dot_general3A_213 = tpu.matmul %sub3A_208, %get3A_1, %dot_general3A_212 {dimension_numbers = #tpu.dot_dimension_numbers<[1], [0], [0], [1], [0, 0, 1, 1], [], []>, transpose_lhs_hint = false} : vector<100x100xf32>, vector<100x100xf32>, vector<100x100xf32> -> vector<100x100xf32>
    %dot_general3A_214 = arith.constant dense<0.000000e+00> : vector<100x100xf32>
    %dot_general3A_215 = tpu.matmul %add3A_211, %get3A_4, %dot_general3A_214 {dimension_numbers = #tpu.dot_dimension_numbers<[1], [0], [0], [1], [0, 0, 1, 1], [], []>, transpose_lhs_hint = false} : vector<100x100xf32>, vector<100x100xf32>, vector<100x100xf32> -> vector<100x100xf32>
    %sub3A_216 = arith.subf %dot_general3A_213, %dot_general3A_215 : vector<100x100xf32>
    %mul3A_217 = arith.constant 9.99999974E-5 : f32
    %mul3A_218 = vector.broadcast %mul3A_217 : f32 to vector<100x100xf32>
    %mul3A_219 = arith.mulf %sub3A_216, %mul3A_218 : vector<100x100xf32>
    %reduce_sum3A_220 = vector.shape_cast %mul3A_219 : vector<100x100xf32> to vector<1x100x100xf32>
    %reduce_sum3A_221 = arith.constant dense<0.000000e+00> : vector<1xf32>
    %reduce_sum3A_222 = vector.multi_reduction <add>, %reduce_sum3A_220, %reduce_sum3A_221 [1, 2] : vector<1x100x100xf32> to vector<1xf32>
    %reduce_sum3A_223 = vector.shape_cast %reduce_sum3A_222 : vector<1xf32> to vector<1x1x1xf32>
    %reduce_sum3A_224 = vector.extract %reduce_sum3A_223[0, 0, 0] : f32 from vector<1x1x1xf32>
    %div3A_225 = arith.constant 1.000000e+04 : f32
    %div3A_226 = arith.divf %reduce_sum3A_224, %div3A_225 : f32
    %sub3A_227 = vector.broadcast %div3A_226 : f32 to vector<100x100xf32>
    %sub3A_228 = arith.subf %mul3A_219, %sub3A_227 : vector<100x100xf32>
    %mul3A_229 = arith.mulf %sub3A_228, %sub3A_228 : vector<100x100xf32>
    %reduce_sum3A_230 = vector.shape_cast %mul3A_229 : vector<100x100xf32> to vector<1x100x100xf32>
    %reduce_sum3A_231 = arith.constant dense<0.000000e+00> : vector<1xf32>
    %reduce_sum3A_232 = vector.multi_reduction <add>, %reduce_sum3A_230, %reduce_sum3A_231 [1, 2] : vector<1x100x100xf32> to vector<1xf32>
    %reduce_sum3A_233 = vector.shape_cast %reduce_sum3A_232 : vector<1xf32> to vector<1x1x1xf32>
    %reduce_sum3A_234 = vector.extract %reduce_sum3A_233[0, 0, 0] : f32 from vector<1x1x1xf32>
    %mul3A_235 = arith.constant 1.000100e-04 : f32
    %mul3A_236 = arith.mulf %reduce_sum3A_234, %mul3A_235 : f32
    %sqrt3A_237 = math.sqrt %mul3A_236 : f32
    %div3A_238 = vector.broadcast %sqrt3A_237 : f32 to vector<100x100xf32>
    %div3A_239 = arith.divf %sub3A_228, %div3A_238 : vector<100x100xf32>
    %swap3A_240 = arith.constant 1 : index
    %swap3A_241 = arith.constant 0 : index
    %swap3A_242 = arith.constant 0 : index
    %swap3A_243 = vector.load %arg6[%swap3A_240, %swap3A_241, %swap3A_242] : memref<3x100x100xf32, #tpu.memory_space<vmem>>, vector<1x100x100xf32>
    %swap3A_244 = vector.shape_cast %swap3A_243 : vector<1x100x100xf32> to vector<100x100xf32>
    %swap3A_245 = vector.shape_cast %div3A_239 : vector<100x100xf32> to vector<1x100x100xf32>
    tpu.vector_store %arg6[%swap3A_240, %swap3A_241, %swap3A_242], %swap3A_245 {strides = array<i32>} : memref<3x100x100xf32, #tpu.memory_space<vmem>>, vector<1x100x100xf32>,
    %reduce_sum3A_246 = vector.shape_cast %get3A_143 : vector<100x100xf32> to vector<1x100x100xf32>
    %reduce_sum3A_247 = arith.constant dense<0.000000e+00> : vector<1xf32>
    %reduce_sum3A_248 = vector.multi_reduction <add>, %reduce_sum3A_246, %reduce_sum3A_247 [1, 2] : vector<1x100x100xf32> to vector<1xf32>
    %reduce_sum3A_249 = vector.shape_cast %reduce_sum3A_248 : vector<1xf32> to vector<1x1x1xf32>
    %reduce_sum3A_250 = vector.extract %reduce_sum3A_249[0, 0, 0] : f32 from vector<1x1x1xf32>
    %mul3A_251 = arith.constant 6.67128202E-12 : f32
    %mul3A_252 = arith.mulf %reduce_sum3A_250, %mul3A_251 : f32
    %mul3A_253 = arith.constant 6.67128202E-12 : f32
    %mul3A_254 = vector.broadcast %mul3A_253 : f32 to vector<100x100xf32>
    %mul3A_255 = arith.mulf %mul3A_219, %mul3A_254 : vector<100x100xf32>
    %mul3A_256 = arith.constant 1.000000e+06 : f32
    %mul3A_257 = arith.mulf %mul3A_256, %mul3A_252 : f32
    %add3A_258 = vector.broadcast %mul3A_257 : f32 to vector<100x100xf32>
    %add3A_259 = arith.addf %mul3A_255, %add3A_258 : vector<100x100xf32>
    %swap3A_260 = arith.constant 1 : index
    %swap3A_261 = arith.constant 0 : index
    %swap3A_262 = arith.constant 0 : index
    %swap3A_263 = vector.load %arg7[%swap3A_260, %swap3A_261, %swap3A_262] : memref<3x100x100xf32, #tpu.memory_space<vmem>>, vector<1x100x100xf32>
    %swap3A_264 = vector.shape_cast %swap3A_263 : vector<1x100x100xf32> to vector<100x100xf32>
    %swap3A_265 = vector.shape_cast %add3A_259 : vector<100x100xf32> to vector<1x100x100xf32>
    tpu.vector_store %arg7[%swap3A_260, %swap3A_261, %swap3A_262], %swap3A_265 {strides = array<i32>} : memref<3x100x100xf32, #tpu.memory_space<vmem>>, vector<1x100x100xf32>,
    %get3A_266 = arith.constant 2 : index
    %get3A_267 = arith.constant 0 : index
    %get3A_268 = arith.constant 0 : index
    %get3A_269 = vector.load %arg0[%get3A_266, %get3A_267, %get3A_268] : memref<3x100x100xf32, #tpu.memory_space<vmem>>, vector<1x100x100xf32>
    %get3A_270 = vector.shape_cast %get3A_269 : vector<1x100x100xf32> to vector<100x100xf32>
    %get3A_271 = arith.constant 2 : index
    %get3A_272 = arith.constant 0 : index
    %get3A_273 = arith.constant 0 : index
    %get3A_274 = vector.load %arg1[%get3A_271, %get3A_272, %get3A_273] : memref<3x100x100xf32, #tpu.memory_space<vmem>>, vector<1x100x100xf32>
    %get3A_275 = vector.shape_cast %get3A_274 : vector<1x100x100xf32> to vector<100x100xf32>
    %dot_general3A_276 = arith.constant dense<0.000000e+00> : vector<100x100xf32>
    %dot_general3A_277 = tpu.matmul %get3A_270, %get3A_1, %dot_general3A_276 {dimension_numbers = #tpu.dot_dimension_numbers<[1], [0], [0], [1], [0, 0, 1, 1], [], []>, transpose_lhs_hint = false} : vector<100x100xf32>, vector<100x100xf32>, vector<100x100xf32> -> vector<100x100xf32>
    %dot_general3A_278 = arith.constant dense<0.000000e+00> : vector<100x100xf32>
    %dot_general3A_279 = tpu.matmul %get3A_270, %get3A_4, %dot_general3A_278 {dimension_numbers = #tpu.dot_dimension_numbers<[1], [0], [0], [1], [0, 0, 1, 1], [], []>, transpose_lhs_hint = false} : vector<100x100xf32>, vector<100x100xf32>, vector<100x100xf32> -> vector<100x100xf32>
    %neg3A_280 = arith.constant 0.000000e+00 : f32
    %neg3A_281 = vector.broadcast %neg3A_280 : f32 to vector<100x100xf32>
    %neg3A_282 = arith.subf %neg3A_281, %dot_general3A_279 : vector<100x100xf32>
    %mul3A_283 = arith.mulf %dot_general3A_277, %get3A_7 : vector<100x100xf32>
    %mul3A_284 = arith.mulf %neg3A_282, %get3A_10 : vector<100x100xf32>
    %add3A_285 = arith.addf %mul3A_283, %mul3A_284 : vector<100x100xf32>
    %mul3A_286 = arith.mulf %neg3A_282, %get3A_7 : vector<100x100xf32>
    %mul3A_287 = arith.mulf %dot_general3A_277, %get3A_10 : vector<100x100xf32>
    %sub3A_288 = arith.subf %mul3A_286, %mul3A_287 : vector<100x100xf32>
    %dot_general3A_289 = arith.constant dense<0.000000e+00> : vector<100x100xf32>
    %dot_general3A_290 = tpu.matmul %get3A_1, %add3A_285, %dot_general3A_289 {dimension_numbers = #tpu.dot_dimension_numbers<[1], [0], [0], [1], [0, 0, 1, 1], [], []>, transpose_lhs_hint = false} : vector<100x100xf32>, vector<100x100xf32>, vector<100x100xf32> -> vector<100x100xf32>
    %dot_general3A_291 = arith.constant dense<0.000000e+00> : vector<100x100xf32>
    %dot_general3A_292 = tpu.matmul %get3A_4, %sub3A_288, %dot_general3A_291 {dimension_numbers = #tpu.dot_dimension_numbers<[1], [0], [0], [1], [0, 0, 1, 1], [], []>, transpose_lhs_hint = false} : vector<100x100xf32>, vector<100x100xf32>, vector<100x100xf32> -> vector<100x100xf32>
    %add3A_293 = arith.addf %dot_general3A_290, %dot_general3A_292 : vector<100x100xf32>
    %dot_general3A_294 = arith.constant dense<0.000000e+00> : vector<100x100xf32>
    %dot_general3A_295 = tpu.matmul %get3A_1, %sub3A_288, %dot_general3A_294 {dimension_numbers = #tpu.dot_dimension_numbers<[1], [0], [0], [1], [0, 0, 1, 1], [], []>, transpose_lhs_hint = false} : vector<100x100xf32>, vector<100x100xf32>, vector<100x100xf32> -> vector<100x100xf32>
    %dot_general3A_296 = arith.constant dense<0.000000e+00> : vector<100x100xf32>
    %dot_general3A_297 = tpu.matmul %get3A_4, %add3A_285, %dot_general3A_296 {dimension_numbers = #tpu.dot_dimension_numbers<[1], [0], [0], [1], [0, 0, 1, 1], [], []>, transpose_lhs_hint = false} : vector<100x100xf32>, vector<100x100xf32>, vector<100x100xf32> -> vector<100x100xf32>
    %sub3A_298 = arith.subf %dot_general3A_295, %dot_general3A_297 : vector<100x100xf32>
    %dot_general3A_299 = arith.constant dense<0.000000e+00> : vector<100x100xf32>
    %dot_general3A_300 = tpu.matmul %get3A_275, %get3A_1, %dot_general3A_299 {dimension_numbers = #tpu.dot_dimension_numbers<[1], [0], [0], [1], [0, 0, 1, 1], [], []>, transpose_lhs_hint = false} : vector<100x100xf32>, vector<100x100xf32>, vector<100x100xf32> -> vector<100x100xf32>
    %dot_general3A_301 = arith.constant dense<0.000000e+00> : vector<100x100xf32>
    %dot_general3A_302 = tpu.matmul %get3A_275, %get3A_4, %dot_general3A_301 {dimension_numbers = #tpu.dot_dimension_numbers<[1], [0], [0], [1], [0, 0, 1, 1], [], []>, transpose_lhs_hint = false} : vector<100x100xf32>, vector<100x100xf32>, vector<100x100xf32> -> vector<100x100xf32>
    %neg3A_303 = arith.constant 0.000000e+00 : f32
    %neg3A_304 = vector.broadcast %neg3A_303 : f32 to vector<100x100xf32>
    %neg3A_305 = arith.subf %neg3A_304, %dot_general3A_302 : vector<100x100xf32>
    %mul3A_306 = arith.mulf %dot_general3A_300, %get3A_7 : vector<100x100xf32>
    %mul3A_307 = arith.mulf %neg3A_305, %get3A_10 : vector<100x100xf32>
    %add3A_308 = arith.addf %mul3A_306, %mul3A_307 : vector<100x100xf32>
    %mul3A_309 = arith.mulf %neg3A_305, %get3A_7 : vector<100x100xf32>
    %mul3A_310 = arith.mulf %dot_general3A_300, %get3A_10 : vector<100x100xf32>
    %sub3A_311 = arith.subf %mul3A_309, %mul3A_310 : vector<100x100xf32>
    %dot_general3A_312 = arith.constant dense<0.000000e+00> : vector<100x100xf32>
    %dot_general3A_313 = tpu.matmul %get3A_1, %add3A_308, %dot_general3A_312 {dimension_numbers = #tpu.dot_dimension_numbers<[1], [0], [0], [1], [0, 0, 1, 1], [], []>, transpose_lhs_hint = false} : vector<100x100xf32>, vector<100x100xf32>, vector<100x100xf32> -> vector<100x100xf32>
    %dot_general3A_314 = arith.constant dense<0.000000e+00> : vector<100x100xf32>
    %dot_general3A_315 = tpu.matmul %get3A_4, %sub3A_311, %dot_general3A_314 {dimension_numbers = #tpu.dot_dimension_numbers<[1], [0], [0], [1], [0, 0, 1, 1], [], []>, transpose_lhs_hint = false} : vector<100x100xf32>, vector<100x100xf32>, vector<100x100xf32> -> vector<100x100xf32>
    %add3A_316 = arith.addf %dot_general3A_313, %dot_general3A_315 : vector<100x100xf32>
    %dot_general3A_317 = arith.constant dense<0.000000e+00> : vector<100x100xf32>
    %dot_general3A_318 = tpu.matmul %get3A_1, %sub3A_311, %dot_general3A_317 {dimension_numbers = #tpu.dot_dimension_numbers<[1], [0], [0], [1], [0, 0, 1, 1], [], []>, transpose_lhs_hint = false} : vector<100x100xf32>, vector<100x100xf32>, vector<100x100xf32> -> vector<100x100xf32>
    %dot_general3A_319 = arith.constant dense<0.000000e+00> : vector<100x100xf32>
    %dot_general3A_320 = tpu.matmul %get3A_4, %add3A_308, %dot_general3A_319 {dimension_numbers = #tpu.dot_dimension_numbers<[1], [0], [0], [1], [0, 0, 1, 1], [], []>, transpose_lhs_hint = false} : vector<100x100xf32>, vector<100x100xf32>, vector<100x100xf32> -> vector<100x100xf32>
    %sub3A_321 = arith.subf %dot_general3A_318, %dot_general3A_320 : vector<100x100xf32>
    %mul3A_322 = arith.mulf %add3A_293, %add3A_316 : vector<100x100xf32>
    %mul3A_323 = arith.mulf %sub3A_298, %sub3A_321 : vector<100x100xf32>
    %add3A_324 = arith.addf %mul3A_322, %mul3A_323 : vector<100x100xf32>
    %mul3A_325 = arith.mulf %add3A_293, %sub3A_321 : vector<100x100xf32>
    %mul3A_326 = arith.mulf %sub3A_298, %add3A_316 : vector<100x100xf32>
    %sub3A_327 = arith.subf %mul3A_325, %mul3A_326 : vector<100x100xf32>
    %dot_general3A_328 = arith.constant dense<0.000000e+00> : vector<100x100xf32>
    %dot_general3A_329 = tpu.matmul %get3A_1, %add3A_324, %dot_general3A_328 {dimension_numbers = #tpu.dot_dimension_numbers<[1], [0], [0], [1], [0, 0, 1, 1], [], []>, transpose_lhs_hint = false} : vector<100x100xf32>, vector<100x100xf32>, vector<100x100xf32> -> vector<100x100xf32>
    %dot_general3A_330 = arith.constant dense<0.000000e+00> : vector<100x100xf32>
    %dot_general3A_331 = tpu.matmul %get3A_4, %sub3A_327, %dot_general3A_330 {dimension_numbers = #tpu.dot_dimension_numbers<[1], [0], [0], [1], [0, 0, 1, 1], [], []>, transpose_lhs_hint = false} : vector<100x100xf32>, vector<100x100xf32>, vector<100x100xf32> -> vector<100x100xf32>
    %sub3A_332 = arith.subf %dot_general3A_329, %dot_general3A_331 : vector<100x100xf32>
    %dot_general3A_333 = arith.constant dense<0.000000e+00> : vector<100x100xf32>
    %dot_general3A_334 = tpu.matmul %get3A_1, %sub3A_327, %dot_general3A_333 {dimension_numbers = #tpu.dot_dimension_numbers<[1], [0], [0], [1], [0, 0, 1, 1], [], []>, transpose_lhs_hint = false} : vector<100x100xf32>, vector<100x100xf32>, vector<100x100xf32> -> vector<100x100xf32>
    %dot_general3A_335 = arith.constant dense<0.000000e+00> : vector<100x100xf32>
    %dot_general3A_336 = tpu.matmul %get3A_4, %add3A_324, %dot_general3A_335 {dimension_numbers = #tpu.dot_dimension_numbers<[1], [0], [0], [1], [0, 0, 1, 1], [], []>, transpose_lhs_hint = false} : vector<100x100xf32>, vector<100x100xf32>, vector<100x100xf32> -> vector<100x100xf32>
    %add3A_337 = arith.addf %dot_general3A_334, %dot_general3A_336 : vector<100x100xf32>
    %mul3A_338 = arith.mulf %sub3A_332, %get3A_7 : vector<100x100xf32>
    %mul3A_339 = arith.mulf %add3A_337, %get3A_10 : vector<100x100xf32>
    %sub3A_340 = arith.subf %mul3A_338, %mul3A_339 : vector<100x100xf32>
    %mul3A_341 = arith.mulf %sub3A_332, %get3A_10 : vector<100x100xf32>
    %mul3A_342 = arith.mulf %add3A_337, %get3A_7 : vector<100x100xf32>
    %add3A_343 = arith.addf %mul3A_341, %mul3A_342 : vector<100x100xf32>
    %dot_general3A_344 = arith.constant dense<0.000000e+00> : vector<100x100xf32>
    %dot_general3A_345 = tpu.matmul %sub3A_340, %get3A_1, %dot_general3A_344 {dimension_numbers = #tpu.dot_dimension_numbers<[1], [0], [0], [1], [0, 0, 1, 1], [], []>, transpose_lhs_hint = false} : vector<100x100xf32>, vector<100x100xf32>, vector<100x100xf32> -> vector<100x100xf32>
    %dot_general3A_346 = arith.constant dense<0.000000e+00> : vector<100x100xf32>
    %dot_general3A_347 = tpu.matmul %add3A_343, %get3A_4, %dot_general3A_346 {dimension_numbers = #tpu.dot_dimension_numbers<[1], [0], [0], [1], [0, 0, 1, 1], [], []>, transpose_lhs_hint = false} : vector<100x100xf32>, vector<100x100xf32>, vector<100x100xf32> -> vector<100x100xf32>
    %sub3A_348 = arith.subf %dot_general3A_345, %dot_general3A_347 : vector<100x100xf32>
    %mul3A_349 = arith.constant 9.99999974E-5 : f32
    %mul3A_350 = vector.broadcast %mul3A_349 : f32 to vector<100x100xf32>
    %mul3A_351 = arith.mulf %sub3A_348, %mul3A_350 : vector<100x100xf32>
    %reduce_sum3A_352 = vector.shape_cast %mul3A_351 : vector<100x100xf32> to vector<1x100x100xf32>
    %reduce_sum3A_353 = arith.constant dense<0.000000e+00> : vector<1xf32>
    %reduce_sum3A_354 = vector.multi_reduction <add>, %reduce_sum3A_352, %reduce_sum3A_353 [1, 2] : vector<1x100x100xf32> to vector<1xf32>
    %reduce_sum3A_355 = vector.shape_cast %reduce_sum3A_354 : vector<1xf32> to vector<1x1x1xf32>
    %reduce_sum3A_356 = vector.extract %reduce_sum3A_355[0, 0, 0] : f32 from vector<1x1x1xf32>
    %div3A_357 = arith.constant 1.000000e+04 : f32
    %div3A_358 = arith.divf %reduce_sum3A_356, %div3A_357 : f32
    %sub3A_359 = vector.broadcast %div3A_358 : f32 to vector<100x100xf32>
    %sub3A_360 = arith.subf %mul3A_351, %sub3A_359 : vector<100x100xf32>
    %mul3A_361 = arith.mulf %sub3A_360, %sub3A_360 : vector<100x100xf32>
    %reduce_sum3A_362 = vector.shape_cast %mul3A_361 : vector<100x100xf32> to vector<1x100x100xf32>
    %reduce_sum3A_363 = arith.constant dense<0.000000e+00> : vector<1xf32>
    %reduce_sum3A_364 = vector.multi_reduction <add>, %reduce_sum3A_362, %reduce_sum3A_363 [1, 2] : vector<1x100x100xf32> to vector<1xf32>
    %reduce_sum3A_365 = vector.shape_cast %reduce_sum3A_364 : vector<1xf32> to vector<1x1x1xf32>
    %reduce_sum3A_366 = vector.extract %reduce_sum3A_365[0, 0, 0] : f32 from vector<1x1x1xf32>
    %mul3A_367 = arith.constant 1.000100e-04 : f32
    %mul3A_368 = arith.mulf %reduce_sum3A_366, %mul3A_367 : f32
    %sqrt3A_369 = math.sqrt %mul3A_368 : f32
    %div3A_370 = vector.broadcast %sqrt3A_369 : f32 to vector<100x100xf32>
    %div3A_371 = arith.divf %sub3A_360, %div3A_370 : vector<100x100xf32>
    %swap3A_372 = arith.constant 2 : index
    %swap3A_373 = arith.constant 0 : index
    %swap3A_374 = arith.constant 0 : index
    %swap3A_375 = vector.load %arg6[%swap3A_372, %swap3A_373, %swap3A_374] : memref<3x100x100xf32, #tpu.memory_space<vmem>>, vector<1x100x100xf32>
    %swap3A_376 = vector.shape_cast %swap3A_375 : vector<1x100x100xf32> to vector<100x100xf32>
    %swap3A_377 = vector.shape_cast %div3A_371 : vector<100x100xf32> to vector<1x100x100xf32>
    tpu.vector_store %arg6[%swap3A_372, %swap3A_373, %swap3A_374], %swap3A_377 {strides = array<i32>} : memref<3x100x100xf32, #tpu.memory_space<vmem>>, vector<1x100x100xf32>,
    %reduce_sum3A_378 = vector.shape_cast %get3A_275 : vector<100x100xf32> to vector<1x100x100xf32>
    %reduce_sum3A_379 = arith.constant dense<0.000000e+00> : vector<1xf32>
    %reduce_sum3A_380 = vector.multi_reduction <add>, %reduce_sum3A_378, %reduce_sum3A_379 [1, 2] : vector<1x100x100xf32> to vector<1xf32>
    %reduce_sum3A_381 = vector.shape_cast %reduce_sum3A_380 : vector<1xf32> to vector<1x1x1xf32>
    %reduce_sum3A_382 = vector.extract %reduce_sum3A_381[0, 0, 0] : f32 from vector<1x1x1xf32>
    %mul3A_383 = arith.constant 6.67128202E-12 : f32
    %mul3A_384 = arith.mulf %reduce_sum3A_382, %mul3A_383 : f32
    %mul3A_385 = arith.constant 6.67128202E-12 : f32
    %mul3A_386 = vector.broadcast %mul3A_385 : f32 to vector<100x100xf32>
    %mul3A_387 = arith.mulf %mul3A_351, %mul3A_386 : vector<100x100xf32>
    %mul3A_388 = arith.constant 1.000000e+06 : f32
    %mul3A_389 = arith.mulf %mul3A_388, %mul3A_384 : f32
    %add3A_390 = vector.broadcast %mul3A_389 : f32 to vector<100x100xf32>
    %add3A_391 = arith.addf %mul3A_387, %add3A_390 : vector<100x100xf32>
    %swap3A_392 = arith.constant 2 : index
    %swap3A_393 = arith.constant 0 : index
    %swap3A_394 = arith.constant 0 : index
    %swap3A_395 = vector.load %arg7[%swap3A_392, %swap3A_393, %swap3A_394] : memref<3x100x100xf32, #tpu.memory_space<vmem>>, vector<1x100x100xf32>
    %swap3A_396 = vector.shape_cast %swap3A_395 : vector<1x100x100xf32> to vector<100x100xf32>
    %swap3A_397 = vector.shape_cast %add3A_391 : vector<100x100xf32> to vector<1x100x100xf32>
    tpu.vector_store %arg7[%swap3A_392, %swap3A_393, %swap3A_394], %swap3A_397 {strides = array<i32>} : memref<3x100x100xf32, #tpu.memory_space<vmem>>, vector<1x100x100xf32>,
    return
  }
}

module attributes {stable_mosaic.version = 14 : i64} {
  func.func @_decode_body(%arg0: i32, %arg1: memref<256x3xf32, #tpu.memory_space<vmem>>, %arg2: memref<3x10000xf32, #tpu.memory_space<vmem>>, %arg3: memref<2x10000xf32, #tpu.memory_space<vmem>>, %arg4: memref<256x1xf32, #tpu.memory_space<vmem>>) attributes {dimension_semantics = [#tpu.dimension_semantics<arbitrary>], iteration_bounds = array<i64: 16>, scalar_prefetch = 0 : i64, scratch_operands = 0 : i64, tpu.core_type = #tpu.core_type<tc>, window_params = [{transform_indices = @transform_0, window_bounds = array<i64: 256, 3>}, {pipeline_mode = #tpu.pipeline_mode<synchronous>, transform_indices = @transform_1, window_bounds = array<i64: 3, 10000>}, {pipeline_mode = #tpu.pipeline_mode<synchronous>, transform_indices = @transform_2, window_bounds = array<i64: 2, 10000>}, {transform_indices = @transform_3, window_bounds = array<i64: 256, 1>}]} {
    %get3A = arith.constant 0 : index
    %get3A_0 = arith.constant 0 : index
    %get3A_1 = vector.load %arg1[%get3A, %get3A_0] : memref<256x3xf32, #tpu.memory_space<vmem>>, vector<256x3xf32>
    %reduce_sum3A = arith.constant dense<0.000000e+00> : vector<256xf32>
    %reduce_sum3A_2 = vector.multi_reduction <add>, %get3A_1, %reduce_sum3A [1] : vector<256x3xf32> to vector<256xf32>
    %broadcast_in_dim3A = vector.shape_cast %reduce_sum3A_2 : vector<256xf32> to vector<256x1xf32>
    %div3A = arith.constant 3.000000e+00 : f32
    %div3A_3 = vector.broadcast %div3A : f32 to vector<256x1xf32>
    %div3A_4 = arith.divf %broadcast_in_dim3A, %div3A_3 : vector<256x1xf32>
    %sub3A = vector.broadcast %div3A_4 : vector<256x1xf32> to vector<256x3xf32>
    %sub3A_5 = arith.subf %get3A_1, %sub3A : vector<256x3xf32>
    %mul3A = arith.mulf %sub3A_5, %sub3A_5 : vector<256x3xf32>
    %reduce_sum3A_6 = arith.constant dense<0.000000e+00> : vector<256xf32>
    %reduce_sum3A_7 = vector.multi_reduction <add>, %mul3A, %reduce_sum3A_6 [1] : vector<256x3xf32> to vector<256xf32>
    %broadcast_in_dim3A_8 = vector.shape_cast %reduce_sum3A_7 : vector<256xf32> to vector<256x1xf32>
    %mul3A_9 = arith.constant 5.000000e-01 : f32
    %mul3A_10 = vector.broadcast %mul3A_9 : f32 to vector<256x1xf32>
    %mul3A_11 = arith.mulf %broadcast_in_dim3A_8, %mul3A_10 : vector<256x1xf32>
    %sqrt3A = math.sqrt %mul3A_11 : vector<256x1xf32>
    %div3A_12 = vector.broadcast %sqrt3A : vector<256x1xf32> to vector<256x3xf32>
    %div3A_13 = arith.divf %sub3A_5, %div3A_12 : vector<256x3xf32>
    %broadcast_in_dim3A_14 = arith.constant 0.000000e+00 : f32
    %broadcast_in_dim3A_15 = vector.broadcast %broadcast_in_dim3A_14 : f32 to vector<256x2xf32>
    %get3A_16 = arith.constant 0 : index
    %get3A_17 = arith.constant 0 : index
    %get3A_18 = vector.load %arg2[%get3A_16, %get3A_17] : memref<3x10000xf32, #tpu.memory_space<vmem>>, vector<3x2000xf32>
    %dot_general3A = arith.constant dense<0.000000e+00> : vector<256x2000xf32>
    %dot_general3A_19 = tpu.matmul %div3A_13, %get3A_18, %dot_general3A {dimension_numbers = #tpu.dot_dimension_numbers<[1], [0], [0], [1], [0, 0, 1, 1], [], []>, transpose_lhs_hint = false} : vector<256x3xf32>, vector<3x2000xf32>, vector<256x2000xf32> -> vector<256x2000xf32>
    %exp3A = math.exp %dot_general3A_19 : vector<256x2000xf32>
    %get3A_20 = arith.constant 0 : index
    %get3A_21 = arith.constant 0 : index
    %get3A_22 = vector.load %arg3[%get3A_20, %get3A_21] : memref<2x10000xf32, #tpu.memory_space<vmem>>, vector<2x2000xf32>
    %dot_general3A_23 = arith.constant dense<0.000000e+00> : vector<256x2xf32>
    %dot_general3A_24 = tpu.matmul %exp3A, %get3A_22, %dot_general3A_23 {dimension_numbers = #tpu.dot_dimension_numbers<[1], [1], [0], [0], [0, 0, 1, 0], [], []>, transpose_lhs_hint = false} : vector<256x2000xf32>, vector<2x2000xf32>, vector<256x2xf32> -> vector<256x2xf32>
    %add3A = arith.addf %broadcast_in_dim3A_15, %dot_general3A_24 : vector<256x2xf32>
    %get3A_25 = arith.constant 0 : index
    %get3A_26 = arith.constant 2000 : index
    %get3A_27 = vector.load %arg2[%get3A_25, %get3A_26] : memref<3x10000xf32, #tpu.memory_space<vmem>>, vector<3x2000xf32>
    %dot_general3A_28 = arith.constant dense<0.000000e+00> : vector<256x2000xf32>
    %dot_general3A_29 = tpu.matmul %div3A_13, %get3A_27, %dot_general3A_28 {dimension_numbers = #tpu.dot_dimension_numbers<[1], [0], [0], [1], [0, 0, 1, 1], [], []>, transpose_lhs_hint = false} : vector<256x3xf32>, vector<3x2000xf32>, vector<256x2000xf32> -> vector<256x2000xf32>
    %exp3A_30 = math.exp %dot_general3A_29 : vector<256x2000xf32>
    %get3A_31 = arith.constant 0 : index
    %get3A_32 = arith.constant 2000 : index
    %get3A_33 = vector.load %arg3[%get3A_31, %get3A_32] : memref<2x10000xf32, #tpu.memory_space<vmem>>, vector<2x2000xf32>
    %dot_general3A_34 = arith.constant dense<0.000000e+00> : vector<256x2xf32>
    %dot_general3A_35 = tpu.matmul %exp3A_30, %get3A_33, %dot_general3A_34 {dimension_numbers = #tpu.dot_dimension_numbers<[1], [1], [0], [0], [0, 0, 1, 0], [], []>, transpose_lhs_hint = false} : vector<256x2000xf32>, vector<2x2000xf32>, vector<256x2xf32> -> vector<256x2xf32>
    %add3A_36 = arith.addf %add3A, %dot_general3A_35 : vector<256x2xf32>
    %get3A_37 = arith.constant 0 : index
    %get3A_38 = arith.constant 4000 : index
    %get3A_39 = vector.load %arg2[%get3A_37, %get3A_38] : memref<3x10000xf32, #tpu.memory_space<vmem>>, vector<3x2000xf32>
    %dot_general3A_40 = arith.constant dense<0.000000e+00> : vector<256x2000xf32>
    %dot_general3A_41 = tpu.matmul %div3A_13, %get3A_39, %dot_general3A_40 {dimension_numbers = #tpu.dot_dimension_numbers<[1], [0], [0], [1], [0, 0, 1, 1], [], []>, transpose_lhs_hint = false} : vector<256x3xf32>, vector<3x2000xf32>, vector<256x2000xf32> -> vector<256x2000xf32>
    %exp3A_42 = math.exp %dot_general3A_41 : vector<256x2000xf32>
    %get3A_43 = arith.constant 0 : index
    %get3A_44 = arith.constant 4000 : index
    %get3A_45 = vector.load %arg3[%get3A_43, %get3A_44] : memref<2x10000xf32, #tpu.memory_space<vmem>>, vector<2x2000xf32>
    %dot_general3A_46 = arith.constant dense<0.000000e+00> : vector<256x2xf32>
    %dot_general3A_47 = tpu.matmul %exp3A_42, %get3A_45, %dot_general3A_46 {dimension_numbers = #tpu.dot_dimension_numbers<[1], [1], [0], [0], [0, 0, 1, 0], [], []>, transpose_lhs_hint = false} : vector<256x2000xf32>, vector<2x2000xf32>, vector<256x2xf32> -> vector<256x2xf32>
    %add3A_48 = arith.addf %add3A_36, %dot_general3A_47 : vector<256x2xf32>
    %get3A_49 = arith.constant 0 : index
    %get3A_50 = arith.constant 6000 : index
    %get3A_51 = vector.load %arg2[%get3A_49, %get3A_50] : memref<3x10000xf32, #tpu.memory_space<vmem>>, vector<3x2000xf32>
    %dot_general3A_52 = arith.constant dense<0.000000e+00> : vector<256x2000xf32>
    %dot_general3A_53 = tpu.matmul %div3A_13, %get3A_51, %dot_general3A_52 {dimension_numbers = #tpu.dot_dimension_numbers<[1], [0], [0], [1], [0, 0, 1, 1], [], []>, transpose_lhs_hint = false} : vector<256x3xf32>, vector<3x2000xf32>, vector<256x2000xf32> -> vector<256x2000xf32>
    %exp3A_54 = math.exp %dot_general3A_53 : vector<256x2000xf32>
    %get3A_55 = arith.constant 0 : index
    %get3A_56 = arith.constant 6000 : index
    %get3A_57 = vector.load %arg3[%get3A_55, %get3A_56] : memref<2x10000xf32, #tpu.memory_space<vmem>>, vector<2x2000xf32>
    %dot_general3A_58 = arith.constant dense<0.000000e+00> : vector<256x2xf32>
    %dot_general3A_59 = tpu.matmul %exp3A_54, %get3A_57, %dot_general3A_58 {dimension_numbers = #tpu.dot_dimension_numbers<[1], [1], [0], [0], [0, 0, 1, 0], [], []>, transpose_lhs_hint = false} : vector<256x2000xf32>, vector<2x2000xf32>, vector<256x2xf32> -> vector<256x2xf32>
    %add3A_60 = arith.addf %add3A_48, %dot_general3A_59 : vector<256x2xf32>
    %get3A_61 = arith.constant 0 : index
    %get3A_62 = arith.constant 8000 : index
    %get3A_63 = vector.load %arg2[%get3A_61, %get3A_62] : memref<3x10000xf32, #tpu.memory_space<vmem>>, vector<3x2000xf32>
    %dot_general3A_64 = arith.constant dense<0.000000e+00> : vector<256x2000xf32>
    %dot_general3A_65 = tpu.matmul %div3A_13, %get3A_63, %dot_general3A_64 {dimension_numbers = #tpu.dot_dimension_numbers<[1], [0], [0], [1], [0, 0, 1, 1], [], []>, transpose_lhs_hint = false} : vector<256x3xf32>, vector<3x2000xf32>, vector<256x2000xf32> -> vector<256x2000xf32>
    %exp3A_66 = math.exp %dot_general3A_65 : vector<256x2000xf32>
    %get3A_67 = arith.constant 0 : index
    %get3A_68 = arith.constant 8000 : index
    %get3A_69 = vector.load %arg3[%get3A_67, %get3A_68] : memref<2x10000xf32, #tpu.memory_space<vmem>>, vector<2x2000xf32>
    %dot_general3A_70 = arith.constant dense<0.000000e+00> : vector<256x2xf32>
    %dot_general3A_71 = tpu.matmul %exp3A_66, %get3A_69, %dot_general3A_70 {dimension_numbers = #tpu.dot_dimension_numbers<[1], [1], [0], [0], [0, 0, 1, 0], [], []>, transpose_lhs_hint = false} : vector<256x2000xf32>, vector<2x2000xf32>, vector<256x2xf32> -> vector<256x2xf32>
    %add3A_72 = arith.addf %add3A_60, %dot_general3A_71 : vector<256x2xf32>
    %slice3A = vector.extract_strided_slice %add3A_72 {offsets = [0, 1], sizes = [256, 1], strides = [1, 1]} : vector<256x2xf32> to vector<256x1xf32>
    %slice3A_73 = vector.extract_strided_slice %add3A_72 {offsets = [0, 0], sizes = [256, 1], strides = [1, 1]} : vector<256x2xf32> to vector<256x1xf32>
    %div3A_74 = arith.divf %slice3A, %slice3A_73 : vector<256x1xf32>
    %swap3A = arith.constant 0 : index
    %swap3A_75 = arith.constant 0 : index
    %swap3A_76 = vector.load %arg4[%swap3A, %swap3A_75] : memref<256x1xf32, #tpu.memory_space<vmem>>, vector<256x1xf32>
    tpu.vector_store %arg4[%swap3A, %swap3A_75], %div3A_74 {strides = array<i32>} : memref<256x1xf32, #tpu.memory_space<vmem>>, vector<256x1xf32>,
    return
  }
  func.func @transform_0(%arg0: i32) -> (i32, i32) {
    %c0_i32 = arith.constant 0 : i32
    %c0_i32_0 = arith.constant 0 : i32
    return %arg0, %c0_i32 : i32, i32
  }
  func.func @transform_1(%arg0: i32) -> (i32, i32) {
    %c0_i32 = arith.constant 0 : i32
    %c0_i32_0 = arith.constant 0 : i32
    %c0_i32_1 = arith.constant 0 : i32
    return %c0_i32, %c0_i32_0 : i32, i32
  }
  func.func @transform_2(%arg0: i32) -> (i32, i32) {
    %c0_i32 = arith.constant 0 : i32
    %c0_i32_0 = arith.constant 0 : i32
    %c0_i32_1 = arith.constant 0 : i32
    return %c0_i32, %c0_i32_0 : i32, i32
  }
  func.func @transform_3(%arg0: i32) -> (i32, i32) {
    %c0_i32 = arith.constant 0 : i32
    %c0_i32_0 = arith.constant 0 : i32
    return %arg0, %c0_i32 : i32, i32
  }
}

</mosaic_0001>

<sc_bundles>
// kernel: kernel.5.cloned.1.call-start
scs
__scs_entry_jumppad:
0x0: {  	(pc) =	sbr.rel $0x88, $3  }
0x1: {  	(tag) =	ssettag $0x0;
	lr =	simm.s32 $0x1  }
0x2: {  	[smem:$0x3F9E] =	sst lr;
	_ =	strace $0xD0000000  }
0x3: {  	_ = 	snop  }
0x4: {  	_ = 	snop  }
0x5: {  	_ = 	snop  }
0x6: {  	_ = 	snop  }
0x7: {  	_ = 	snop  }
__scs_overlays_trampoline_lowered:
0x8: {  	[smem:$0x3FAD] =	sst s0  }
0x9: {  	[smem:$0x3FAE] =	sst s1  }
0xa: {  	[smem:$0x3FAF] =	sst s2  }
0xb: {  	[smem:$0x3FB0] =	sst s3  }
0xc: {  	[smem:$0x3FB1] =	sst s4  }
0xd: {  	[smem:$0x3FB2] =	sst s5  }
0xe: {  	[smem:$0x3FB3] =	sst s6  }
0xf: {  	[smem:$0x3FB4] =	sst s7  }
0x10: {  	[smem:$0x3FB5] =	sst s8  }
0x11: {  	[smem:$0x3FB6] =	sst s9;
	s0 =	simm.s32 @!p0 $0x0  }
0x12: {  	s1 =	sld [smem:$0x3F9C];
	s0 =	simm.s32 @p0 $0x1  }
0x13: {  	[smem:$0x3FB7] =	sst s0;
	s0 =	simm.s32 @!p1 $0x0  }
0x14: {  	s2 =	sld [smem:$0x3F9B];
	s0 =	simm.s32 @p1 $0x1  }
0x15: {  	[smem:$0x3FB8] =	sst s0;
	s0 =	simm.s32 @!p2 $0x0  }
0x16: {  	s3 =	sld [smem:$0x3FDB];
	s0 =	simm.s32 @p2 $0x1  }
0x17: {  	s4 =	simm.s32 $0x1BF5;
	[smem:$0x3FBA] =	sst s0  }
0x18: {  	s0 =	sld [smem:$0x3F9D];
	_ =	swait.ge [sflag:s4], $0x0  }
0x19: {  	s7 =	sld [smem:$0x3F9E]  }
0x1a: {  	s8 =	sadd.s32 $0xFFFFE003, lr  }
0x1b: {  	s9 =	sadd.s32 $0xFFFFFEF7, lr;
	s5 =	simm.s32 $0xFFFFFFFF;
	p2 =	slt.u32 s8, $0xFFFFF086  }
0x1c: {  	p1 =	slt.u32 s9, $0xF7A;
	s5 =	simm.s32 @!p2 $0x0  }
0x1d: {  	s5 =	simm.s32 @p1 $0x1;
	p0 =	seq.s32 s7, s2  }
0x1e: {  	s7 =	smul.u32 @!p0 $0xF7A, s2;
	p2 =	seq.s32 @!p0 s5, $0x0  }
0x1f: {  	s9 =	smul.u32 $0xF7A, s1;
	s8 =	simm.s32 @!p0 $0x1BF5;
	p2 =	por !p2, p0  }
0x20: {  	[sflag:s8] =	ssyncset.s32 @!p0 $0xFFFFF086;
	s6 =	sadd.s32 @!p0 s3, s7;
	s7 =	simm.s32 @!p0 $0x108  }
0x21: {  	s3 =	sadd.s32 s3, s9;
	s6 =	sadd.s32 @!p0 $0x88, s6;
	s7 =	simm.s32 @p2 $0x1082  }
0x22: {  	[simem:s7], [sflag:s8] =	dma.local @!p0 [hbm:s6], $0xF7A  }
0x23: {  	s9 =	sor.u32 $0xD0000000, s2;
	s6 =	simm.s32 $0x108;
	_ =	swait.ge @!p0 [sflag:s8], $0x0  }
0x24: {  	s3 =	sadd.s32 $0x88, s3;
	s6 =	simm.s32 @!p1 $0x1082;
	[sflag:s4] =	ssyncset.s32 $0xFFFFF086  }
0x25: {  	[simem:s6], [sflag:s4] =	dma.local [hbm:s3], $0xF7A  }
0x26: {  	[smem:$0x3F9E] =	sst s1;
	(tag) =	ssettag s2;
	_ =	strace s9  }
0x27: {  	s1 =	sld [smem:$0x3FAE]  }
0x28: {  	s2 =	sld [smem:$0x3FAF]  }
0x29: {  	s4 =	sld [smem:$0x3FB1]  }
0x2a: {  	p0 =	seq.s32 s5, $0x0;
	s5 =	sld [smem:$0x3FB2]  }
0x2b: {  	s6 =	sld [smem:$0x3FB3]  }
0x2c: {  	s7 =	sld [smem:$0x3FB4]  }
0x2d: {  	s3 =	simm.s32 $0x108;
	s8 =	sld [smem:$0x3FB5]  }
0x2e: {  	s3 =	simm.s32 @!p0 $0x1082;
	s9 =	sld [smem:$0x3FB6]  }
0x2f: {  	lr =	sadd.s32 s0, s3;
	s0 =	sld [smem:$0x3FAD]  }
0x30: {  	s3 =	sld [smem:$0x3FB0]  }
0x31: {  	[smem:$0x3FB9] =	sst s10  }
0x32: {  	s10 =	sld [smem:$0x3FB7];
	_ =	sdelay $0x3  }
0x33: {  	p0 =	seq.s32 s10, $0x1;
	s10 =	sld [smem:$0x3FB9];
	_ =	sdelay $0x3  }
0x34: {  	[smem:$0x3FB9] =	sst s10  }
0x35: {  	s10 =	sld [smem:$0x3FB8];
	_ =	sdelay $0x3  }
0x36: {  	p1 =	seq.s32 s10, $0x1;
	s10 =	sld [smem:$0x3FB9];
	_ =	sdelay $0x3  }
0x37: {  	[smem:$0x3FB9] =	sst s10  }
0x38: {  	s10 =	sld [smem:$0x3FBA]  }
0x39: {  	_ = 	snop;
	(pc) =	sbr.ind lr, $3  }
0x3a: {  	_ = 	snop  }
0x3b: {  	_ = 	snop  }
0x3c: {  	p2 =	seq.s32 s10, $0x1;
	s10 =	sld [smem:$0x3FB9]  }
0x3d: {  	_ =	shalt  }
0x3e: {  	_ =	shalt  }
0x3f: {  	_ =	shalt  }
0x40: {  	_ =	shalt  }
0x41: {  	_ =	shalt  }
0x42: {  	_ =	shalt  }
0x43: {  	_ =	shalt  }
0x44: {  	_ =	shalt  }
0x45: {  	_ =	shalt  }
0x46: {  	_ =	shalt  }
0x47: {  	_ =	shalt  }
0x48: {  	_ =	shalt  }
0x49: {  	_ =	shalt  }
0x4a: {  	_ =	shalt  }
0x4b: {  	_ =	shalt  }
0x4c: {  	_ =	shalt  }
0x4d: {  	_ =	shalt  }
0x4e: {  	_ =	shalt  }
0x4f: {  	_ =	shalt  }
0x50: {  	_ =	shalt  }
0x51: {  	_ =	shalt  }
0x52: {  	_ =	shalt  }
0x53: {  	_ =	shalt  }
0x54: {  	_ =	shalt  }
0x55: {  	_ =	shalt  }
0x56: {  	_ =	shalt  }
0x57: {  	_ =	shalt  }
0x58: {  	_ =	shalt  }
0x59: {  	_ =	shalt  }
0x5a: {  	_ =	shalt  }
0x5b: {  	_ =	shalt  }
0x5c: {  	_ =	shalt  }
0x5d: {  	_ =	shalt  }
0x5e: {  	_ =	shalt  }
0x5f: {  	_ =	shalt  }
0x60: {  	_ =	shalt  }
0x61: {  	_ =	shalt  }
0x62: {  	_ =	shalt  }
0x63: {  	_ =	shalt  }
0x64: {  	_ =	shalt  }
0x65: {  	_ =	shalt  }
0x66: {  	_ =	shalt  }
0x67: {  	_ =	shalt  }
0x68: {  	_ =	shalt  }
0x69: {  	_ =	shalt  }
0x6a: {  	_ =	shalt  }
0x6b: {  	_ =	shalt  }
0x6c: {  	_ =	shalt  }
0x6d: {  	_ =	shalt  }
0x6e: {  	_ =	shalt  }
0x6f: {  	_ =	shalt  }
0x70: {  	_ =	shalt  }
0x71: {  	_ =	shalt  }
0x72: {  	_ =	shalt  }
0x73: {  	_ =	shalt  }
0x74: {  	_ =	shalt  }
0x75: {  	_ =	shalt  }
0x76: {  	_ =	shalt  }
0x77: {  	_ =	shalt  }
0x78: {  	_ =	shalt  }
0x79: {  	_ =	shalt  }
0x7a: {  	_ =	shalt  }
0x7b: {  	_ =	shalt  }
0x7c: {  	_ =	shalt  }
0x7d: {  	_ =	shalt  }
0x7e: {  	_ =	shalt  }
0x7f: {  	_ =	shalt  }
0x80: {  	_ =	shalt  }
0x81: {  	_ =	shalt  }
0x82: {  	_ =	shalt  }
0x83: {  	_ =	shalt  }
0x84: {  	_ =	shalt  }
0x85: {  	_ =	shalt  }
0x86: {  	_ =	shalt  }
0x87: {  	_ =	shalt  }
.Lfunc_end0:
.L_simem_size_0:
called_computation_lowered:
.L_overlay_start_0:
0x88: {  	s2 =	sld [smem:$0x3FD9]  }
0x89: {  	s3 =	sld [smem:$0x3FFE];
	_ =	sdelay $0x1  }
0x8a: {  	s1 =	srdreg.scid  }
0x8b: {  	s0 =	sand.u32 $0x1, s1  }
0x8c: {  	s17 =	sshll.u32 s0, $0xA;
	s2 =	sadd.s32 s3, s2  }
0x8d: {  	s2 =	sadd.s32 s2, s17  }
0x8e: {  	[smem:$0x3FC5] =	sst s2  }
0x8f: {  	_ = 	snop  }
0x90: {  	s2 =	sld [smem:$0x3FD0];
	(tm) =	ssettm $0x1  }
0x91: {  	s18 =	sld [smem:$0x3FFB];
	_ =	sdelay $0x3  }
0x92: {  	_ =	strace s18  }
0x93: {  	s3 =	sld [smem:$0x3FFC];
	_ =	sdelay $0x3  }
0x94: {  	_ =	strace s3  }
0x95: {  	s3 =	sld [smem:$0x3FFD];
	_ =	sdelay $0x3  }
0x96: {  	_ =	strace s3  }
0x97: {  	_ =	strace $0x8FFFFFFF  }
0x98: {  	s19 =	sld [smem:$0x3FDB];
	_ =	sdelay $0x1  }
0x99: {  	s4 =	simm.s32 $_scs_section_size  }
0x9a: {  	s5 =	simm.s32 $_size__tile_overlayer_lowered;
	s6 =	simm.s32 $_tile_overlayer_lowered  }
0x9b: {  	s22 =	simm.s32 $0x1BFF;
	s21 =	sshll.u32 s6, $0x1;
	s3 =	sadd.s32 s4, s19  }
0x9c: {  	s7 =	simm.s32 $0x0;
	s20 =	sshll.u32 s5, $0x1;
	s5 =	sadd.s32 s21, s3  }
0x9d: {  	[timem:s7], [sflag:s22] =	dma.local [hbm:s5], s20  }
0x9e: {  	_ =	swait.ge [sflag:s22], s20  }
0x9f: {  	s4 =	ssub.s32 $0x0, s20;
	[sflag:s22] =	ssyncset.done $0x0  }
0xa0: {  	[sflag:s22] =	ssyncadd.s32 s4;
	_ =	sdelay $0x1  }
0xa1: {  	s23 =	simm.s32 $0x1B8B  }
0xa2: {  	_ =	swait.ge [sflag:s23], $0x1  }
0xa3: {  	[sflag:s23] =	ssyncset.done $0x0  }
0xa4: {  	s25 =	simm.s32 $0x1B8E;
	s24 =	sld [smem:$0x3FFE];
	[sflag:s23] =	ssyncadd.s32 $0xFFFFFFFF  }
0xa5: {  	s26 =	simm.s32 $execute0_lowered;
	[smem:$0x3FD2] =	sst s25  }
0xa6: {  	s5 =	sshll.u32 s26, $0x1;
	_ =	strace $0x80000046;
	[dreg:$0x1] =	wrdreg $0xFFFFFFFF  }
0xa7: {  	s28 =	simm.s32 $_size_execute0_lowered;
	s3 =	sadd.s32 s3, s5;
	[dreg:$0x0] =	wrdreg $0x0  }
0xa8: {  	s5 =	sshll.u32 s28, $0x1;
	[dreg:$0x2] =	wrdreg s3  }
0xa9: {  	[dreg:$0x3] =	wrdreg s5  }
0xaa: {  	[dreg:$0x4] =	wrdreg $0xC0  }
0xab: {  	_ =	task [dreg:s7], $0x5FFFF  }
0xac: {  	[dreg:$0x1] =	wrdreg $0xFFFFFFFF  }
0xad: {  	[dreg:$0x0] =	wrdreg $0x60  }
0xae: {  	[dreg:$0x2] =	wrdreg s2  }
0xaf: {  	[dreg:$0x3] =	wrdreg s24  }
0xb0: {  	[dreg:$0x4] =	wrdreg $0x9  }
0xb1: {  	_ =	task.clear_ibuf [dreg:s7], $0x5FFFF;
	_ =	strace $0x90000046  }
0xb2: {  	s29 =	simm.s32 $0x9;
	_ =	strace $0x80000048  }
0xb3: {  	_ =	swait.ge [sflag:s29], $0x1  }
0xb4: {  	[sflag:s29] =	ssyncadd.s32 $0xFFFFFFFF  }
0xb5: {  	_ =	strace $0x90000048  }
0xb6: {  	_ =	sfence  }
0xb7: {  	s30 =	sld [smem:$0x0];
	_ =	sdelay $0x2  }
0xb8: {  	s31 =	sshll.u32 s1, $0xD;
	s1 =	sshrl.u32 s1, $0x2  }
0xb9: {  	s3 =	sand.u32 $0x4000, s31;
	s1 =	sadd.s32 s1, s30  }
0xba: {  	s0 =	sor.u32 s3, s0;
	s1 =	sshll.u32 s1, $0x11  }
0xbb: {  	s0 =	sor.u32 s1, s0  }
0xbc: {  	s0 =	sadd.s32 $0x8F2B, s0  }
0xbd: {  	[sflag:s0] =	ssyncadd.remote.s32 $0x1  }
0xbe: {  	_ =	sfence.sel $0xFFFF  }
0xbf: {  	[dreg:$0x0] =	wrdreg $0xFFFFFFFF;
	(pc) =	sbr.abs _section_cstart, $3  }
0xc0: {  	[dreg:$0x1] =	wrdreg $0xFFFFFFFF  }
0xc1: {  	_ =	task.clear_ibuf [dreg:s7], $0x2FFFF;
	_ =	strace $0x9FFFFFFF  }
0xc2: {  	(tm) =	ssettm $0x7FFFFFFF  }
0xc3: {  	_ =	shalt  }
tec
execute0_lowered:
.L_overlay_start_1:
0x0: {  	(tag) =	ssettag $0x1  }
0x1: {  	s3 =	srdreg.scid;
	s1 =	stileid.u32  }
0x2: {  	s4 =	rddreg [dreg:$0x0];
	s6 =	sand.u32 $0x1, s3;
	s7 =	sshll.u32 s1, $0x1  }
0x3: {  	s5 =	rddreg [dreg:$0x1];
	s7 =	sor.u32 s6, s7;
	s6 =	ssub.s32 $0x2, s6  }
0x4: {  	s0 =	rddreg [dreg:$0x2];
	s2 =	simm.s32 $0x0;
	s9 =	sshrl.u32 s6, $0x1  }
0x5: {  	s13 =	simm.s32 $0x100;
	s14 =	simm.s32 $0x300;
	s6 =	ssub.s32 s6, s9  }
0x6: {  	s10 =	simm.s32 $0x180;
	s11 =	simm.s32 $0x380;
	s16 =	smax.u32 s6, $0x1  }
0x7: {  	s12 =	simm.s32 $0x4000;
	p0 =	por $0x0, $0x0;
	p1 =	sne.s32 s16, $0x1  }
.Ltmp0:
0x8: {  	[smem:$0x7FF] =	sst s2;
	s3 =	sadd.s32 $0xE00, s5;
	(pc) =	sbr.rel @!p1 .LBB2_3-.Ltmp0, $4  }
0x9: {  	_ =	strace $0x80000047;
	s8 =	sshll.u32 s7, $0x6;
	s7 =	sshll.u32 s7, $0x4  }
0xa: {  	s5 =	sadd.s32 s8, s5;
	s15 =	sadd.s32 s4, s7;
	s4 =	simm.s32 $0x2  }
0xb: {  	s8 =	simm.s32 $0x80;
	s7 =	simm.s32 $0x1;
	s9 =	simm.s32 $0x200  }
0xc: {  	v0 =	vimm.s32 $0x0;
	s5 =	sadd.s32 $0x1E00, s5;
	s6 =	simm.s32 $0x280;
	s16 =	sadd.s32 $0xFFFFFFFF, s16  }
0xd: {  	[tilespmem:s2], [sflag:$0x2] =	stream.linear.gather [hbm4b:s15+s2], $0x80, $0x38;
	[tilespmem:$0x480] =	vst v63  }
0xe: {  	_ =	swait.ge [sflag:s4], $0x80  }
0xf: {  	[sflag:s4] =	ssyncset.done $0x0  }
0x10: {  	[sflag:s4] =	ssyncadd.s32 $0xFFFFFF80  }
0x11: {  	v1 =	vld [tilespmem:$0x70]  }
0x12: {  	v2 =	vld [tilespmem:$0x50]  }
0x13: {  	v3 =	vld [tilespmem:$0x40]  }
0x14: {  	v5 =	vld [tilespmem:$0x0]  }
0x15: {  	v37 =	vld [tilespmem:$0x10]  }
0x16: {  	v47 =	vld [tilespmem:$0x20]  }
0x17: {  	v4 =	vld [tilespmem:$0x60]  }
0x18: {  	v2 =	vadd.f32 $5.000000000e-01, v2  }
0x19: {  	v1 =	vadd.f32 $5.000000000e-01, v1;
	v3 =	vadd.f32 $5.000000000e-01, v3  }
0x1a: {  	v5 =	vadd.f32 $5.000000000e-01, v5;
	v40 =	vadd.f32 $5.000000000e-01, v37;
	v6 =	vtrunc.f32 v2  }
0x1b: {  	v50 =	vadd.f32 $5.000000000e-01, v47;
	v7 =	vtrunc.f32 v1;
	v9 =	vtrunc.f32 v3  }
0x1c: {  	v4 =	vadd.f32 $5.000000000e-01, v4;
	v10 =	vtrunc.f32 v5;
	v44 =	vtrunc.f32 v40  }
0x1d: {  	v54 =	vtrunc.f32 v50;
	v8 =	vcvt.f32.s32 v6;
	vm1 =	veq.f32 v2, v6  }
0x1e: {  	v2 =	vtrunc.f32 v4;
	v35 =	vcvt.f32.s32 v7;
	vm4 =	veq.f32 v1, v7  }
0x1f: {  	vm0 =	veq.f32 v5, v10;
	v36 =	vcvt.f32.s32 v9;
	vm7 =	veq.f32 v3, v9  }
0x20: {  	vm11 =	veq.f32 v40, v44;
	v46 =	vcvt.f32.s32 v44;
	v34 =	vcvt.f32.s32 v2  }
0x21: {  	vm2 =	veq.f32 v4, v2;
	v2 =	vand.u32 $0x1, v8;
	v1 =	vand.u32 $0x1, v35  }
0x22: {  	v38 =	vand.u32 $0x1, v36;
	v13 =	vand.u32 $0x1, v46;
	vm3 =	veq.s32 v2, $0x1  }
0x23: {  	v11 =	vand.u32 $0x1, v34;
	vm5 =	veq.s32 v1, $0x1;
	vm6 =	veq.s32 v38, $0x1  }
0x24: {  	vm1 =	vmand vm1, vm3;
	vm14 =	veq.s32 v11, $0x1;
	vm4 =	vmand vm4, vm5  }
0x25: {  	v2 =	vld [tilespmem:$0x30];
	vm8 =	vmand vm7, vm6;
	v1 =	vsel vm1, $0xFFFFFFFF, v0;
	vm15 =	vmand vm2, vm14  }
0x26: {  	v39 =	vsel vm4, $0xFFFFFFFF, v0;
	v41 =	vsel vm8, $0xFFFFFFFF, v0;
	vm14 =	veq.s32 v13, $0x1  }
0x27: {  	v1 =	vadd.s32 v8, v1;
	v4 =	vadd.s32 v35, v39;
	v3 =	vsel vm15, $0xFFFFFFFF, v0  }
0x28: {  	v5 =	vadd.s32 v36, v41;
	vm1 =	vmand vm11, vm14;
	vm5 =	vgt.s32 v1, $0x0  }
0x29: {  	v3 =	vadd.s32 v34, v3;
	vm10 =	vgt.s32 v4, $0x0;
	vm12 =	vgt.s32 v5, $0x0  }
0x2a: {  	v2 =	vadd.f32 $5.000000000e-01, v2;
	v1 =	vnsel vm5, $0x0, v1;
	vm9 =	vgt.s32 v3, $0x0  }
0x2b: {  	v4 =	vnsel vm10, $0x0, v4;
	v1 =	vmin.u32 v1, $0x270F;
	v3 =	vnsel vm9, $0x0, v3  }
0x2c: {  	v4 =	vmin.u32 v4, $0x270F;
	v1 =	vmul.u32 $0x3, v1;
	v3 =	vmin.u32 v3, $0x270F  }
0x2d: {  	v45 =	vtrunc.f32 v2;
	v4 =	vmul.u32 $0x3, v4;
	v3 =	vmul.u32 $0x3, v3  }
0x2e: {  	v12 =	vcvt.f32.s32 v45;
	vm13 =	veq.f32 v2, v45;
	v42 =	vadd.s32 $0x1, v1;
	[tilespmem:$0xD0] =	vst v1  }
0x2f: {  	v43 =	vadd.s32 $0x2, v1;
	v1 =	vnsel vm12, $0x0, v5;
	[tilespmem:$0xF0] =	vst v4;
	v2 =	vadd.s32 $0x1, v3  }
0x30: {  	v48 =	vadd.s32 $0x2, v3;
	v49 =	vand.u32 $0x1, v12;
	[tilespmem:$0x150] =	vst v42;
	v1 =	vmin.u32 v1, $0x270F  }
0x31: {  	[tilespmem:$0xE0] =	vst v3;
	v3 =	vsel vm1, $0xFFFFFFFF, v0;
	vm15 =	veq.s32 v49, $0x1;
	v1 =	vmul.u32 $0x3, v1  }
0x32: {  	v3 =	vadd.s32 v46, v3;
	[tilespmem:$0x160] =	vst v2;
	v2 =	vcvt.f32.s32 v10;
	vm8 =	vmand vm13, vm15  }
0x33: {  	[tilespmem:$0x1D0] =	vst v43;
	vm9 =	vgt.s32 v3, $0x0;
	v51 =	vsel vm8, $0xFFFFFFFF, v0;
	v53 =	vadd.s32 $0x2, v1  }
0x34: {  	v3 =	vnsel vm9, $0x0, v3;
	[tilespmem:$0xC0] =	vst v1;
	v1 =	vadd.s32 $0x1, v1;
	v52 =	vadd.s32 v12, v51  }
0x35: {  	[tilespmem:$0x1E0] =	vst v48;
	v59 =	vand.u32 $0x1, v2;
	v3 =	vmin.u32 v3, $0x270F;
	vm10 =	vgt.s32 v52, $0x0  }
0x36: {  	[tilespmem:$0x1C0] =	vst v53;
	vm13 =	veq.s32 v59, $0x1;
	v3 =	vmul.u32 $0x3, v3;
	v55 =	vnsel vm10, $0x0, v52  }
0x37: {  	v56 =	vcvt.f32.s32 v54;
	[tilespmem:$0x140] =	vst v1;
	vm0 =	vmand vm0, vm13;
	v57 =	vmin.u32 v55, $0x270F  }
0x38: {  	v61 =	vsel vm0, $0xFFFFFFFF, v0;
	[tilespmem:$0x90] =	vst v3;
	v62 =	vadd.s32 $0x1, v3;
	v5 =	vmul.u32 $0x3, v57  }
0x39: {  	v58 =	vand.u32 $0x1, v56;
	vm11 =	veq.f32 v50, v54;
	v2 =	vadd.s32 v2, v61;
	[tilespmem:$0x110] =	vst v62  }
0x3a: {  	vm12 =	veq.s32 v58, $0x1;
	vm15 =	vgt.s32 v2, $0x0;
	[tilespmem:$0xB0] =	vst v5;
	v1 =	vadd.s32 $0x1, v5  }
0x3b: {  	vm1 =	vmand vm11, vm12;
	v2 =	vnsel vm15, $0x0, v2;
	[tilespmem:$0x130] =	vst v1;
	v1 =	vadd.s32 $0x2, v5  }
0x3c: {  	v60 =	vsel vm1, $0xFFFFFFFF, v0;
	v2 =	vmin.u32 v2, $0x270F;
	[tilespmem:$0x1B0] =	vst v1;
	v1 =	vadd.s32 $0x1, v4  }
0x3d: {  	v6 =	vadd.s32 v56, v60;
	v2 =	vmul.u32 $0x3, v2;
	v4 =	vadd.s32 $0x2, v4;
	[tilespmem:$0x170] =	vst v1  }
0x3e: {  	vm14 =	vgt.s32 v6, $0x0;
	[tilespmem:$0x1F0] =	vst v4  }
0x3f: {  	v6 =	vnsel vm14, $0x0, v6;
	v1 =	vadd.s32 $0x2, v3;
	[tilespmem:$0x80] =	vst v2  }
0x40: {  	v3 =	vmin.u32 v6, $0x270F;
	v63 =	vadd.s32 $0x2, v2;
	[tilespmem:$0x190] =	vst v1  }
0x41: {  	v2 =	vadd.s32 $0x1, v2;
	v1 =	vmul.u32 $0x3, v3;
	[tilespmem:$0x180] =	vst v63  }
0x42: {  	[tilespmem:$0x100] =	vst v2  }
0x43: {  	[tilespmem:$0xA0] =	vst v1;
	v3 =	vadd.s32 $0x1, v1  }
0x44: {  	v1 =	vadd.s32 $0x2, v1;
	[tilespmem:$0x120] =	vst v3  }
0x45: {  	[tilespmem:$0x1A0] =	vst v1  }
0x46: {  	[tilespmem:s6], [sflag:$0x1] =	stream.indirect.gather [hbm4b:s3+s8], $0x1, s8, s8, $0xb8;
	[tilespmem:$0x480] =	vst v63  }
0x47: {  	_ =	swait.ge [sflag:s7], $0x80  }
0x48: {  	[sflag:s7] =	ssyncset.done $0x0  }
0x49: {  	[sflag:s7] =	ssyncadd.s32 $0xFFFFFF80  }
0x4a: {  	[tilespmem:s14], [sflag:$0x1] =	stream.indirect.gather [hbm4b:s3+s8], $0x1, s13, s8, $0xb8;
	[tilespmem:$0x480] =	vst v63  }
0x4b: {  	_ =	swait.ge [sflag:s7], $0x80  }
0x4c: {  	[sflag:s7] =	ssyncset.done $0x0  }
0x4d: {  	[sflag:s7] =	ssyncadd.s32 $0xFFFFFF80  }
0x4e: {  	[tilespmem:s11], [sflag:$0x1] =	stream.indirect.gather [hbm4b:s3+s8], $0x1, s10, s8, $0xb8;
	[tilespmem:$0x480] =	vst v63  }
0x4f: {  	p1 =	sne.s32 s16, $0x1;
	_ =	swait.ge [sflag:s7], $0x80  }
.Ltmp1:
0x50: {  	[sflag:s7] =	ssyncset.done $0x0;
	(pc) =	sbr.rel @!p1 .LBB2_3-.Ltmp1, $4  }
0x51: {  	[sflag:s7] =	ssyncadd.s32 $0xFFFFFF80  }
0x52: {  	[hbm4b:s5+s9] =	stream.strided.scatter [tilespmem:s6], [sflag:$0x2], $0x0, s12, s9, $0x38;
	[tilespmem:$0x480] =	vst v63  }
0x53: {  	s16 =	sadd.s32 $0xFFFFFFFF, s16;
	p0 =	por $0x1, $0x1  }
0x54: {  	[hbm4b:s5+s2] =	stream.linear.scatter [tilespmem:s6], [sflag:$0x2], $0x180, $0x38;
	[tilespmem:$0x480] =	vst v63  }
.LBB2_2:
0x55: {  	p1 =	sne.s32 s16, $0x1;
	s16 =	sadd.s32 $0xFFFFFFFF, s16;
	_ =	swait.ge [sflag:s4], $0x180  }
0x56: {  	[sflag:s4] =	ssyncset.done $0x0  }
0x57: {  	[sflag:s4] =	ssyncadd.s32 $0xFFFFFE80  }
0x58: {  	[tilespmem:s2], [sflag:$0x2] =	stream.linear.gather [hbm4b:s15+s2], $0x80, $0x38;
	[tilespmem:$0x480] =	vst v63  }
0x59: {  	_ =	swait.ge [sflag:s4], $0x80  }
0x5a: {  	[sflag:s4] =	ssyncset.done $0x0  }
0x5b: {  	[sflag:s4] =	ssyncadd.s32 $0xFFFFFF80  }
0x5c: {  	v1 =	vld [tilespmem:$0x70]  }
0x5d: {  	v2 =	vld [tilespmem:$0x50]  }
0x5e: {  	v3 =	vld [tilespmem:$0x40]  }
0x5f: {  	v4 =	vld [tilespmem:$0x60]  }
0x60: {  	v5 =	vld [tilespmem:$0x0];
	_ =	sdelay $0x1  }
0x61: {  	v1 =	vadd.f32 $5.000000000e-01, v1;
	v2 =	vadd.f32 $5.000000000e-01, v2  }
0x62: {  	v3 =	vadd.f32 $5.000000000e-01, v3  }
0x63: {  	v6 =	vtrunc.f32 v1;
	v4 =	vadd.f32 $5.000000000e-01, v4  }
0x64: {  	v8 =	vtrunc.f32 v2;
	v5 =	vadd.f32 $5.000000000e-01, v5;
	v7 =	vtrunc.f32 v3  }
0x65: {  	v9 =	vcvt.f32.s32 v8;
	vm1 =	veq.f32 v2, v8;
	v2 =	vtrunc.f32 v4  }
0x66: {  	v8 =	vcvt.f32.s32 v2;
	vm2 =	veq.f32 v4, v2;
	v2 =	vcvt.f32.s32 v6  }
0x67: {  	v4 =	vtrunc.f32 v5;
	v11 =	vand.u32 $0x1, v9;
	v10 =	vld [tilespmem:$0x30]  }
0x68: {  	vm4 =	veq.f32 v1, v6;
	vm3 =	veq.s32 v11, $0x1;
	v11 =	vand.u32 $0x1, v8  }
0x69: {  	vm0 =	veq.f32 v5, v4;
	vm1 =	vmand vm1, vm3;
	v1 =	vand.u32 $0x1, v2  }
0x6a: {  	v5 =	vcvt.f32.s32 v7;
	vm3 =	veq.s32 v11, $0x1;
	vm5 =	veq.s32 v1, $0x1  }
0x6b: {  	v6 =	vsel vm1, $0xFFFFFFFF, v0;
	vm1 =	vmand vm2, vm3;
	vm2 =	vmand vm4, vm5;
	v1 =	vld [tilespmem:$0x10]  }
0x6c: {  	v11 =	vand.u32 $0x1, v5;
	v6 =	vadd.s32 v9, v6;
	v9 =	vsel vm2, $0xFFFFFFFF, v0  }
0x6d: {  	vm2 =	vgt.s32 v6, $0x0;
	v10 =	vadd.f32 $5.000000000e-01, v10;
	v2 =	vadd.s32 v2, v9  }
0x6e: {  	vm3 =	veq.s32 v11, $0x1;
	v6 =	vnsel vm2, $0x0, v6;
	v9 =	vsel vm1, $0xFFFFFFFF, v0  }
0x6f: {  	vm1 =	veq.f32 v3, v7;
	v3 =	vmin.u32 v6, $0x270F;
	v6 =	vadd.s32 v8, v9  }
0x70: {  	vm1 =	vmand vm1, vm3;
	v3 =	vmul.u32 $0x3, v3;
	v1 =	vadd.f32 $5.000000000e-01, v1  }
0x71: {  	vm2 =	vgt.s32 v2, $0x0;
	v7 =	vsel vm1, $0xFFFFFFFF, v0;
	vm1 =	vgt.s32 v6, $0x0  }
0x72: {  	v2 =	vnsel vm2, $0x0, v2;
	v8 =	vadd.s32 $0x1, v3;
	[tilespmem:$0xD0] =	vst v3;
	v3 =	vadd.s32 $0x2, v3  }
0x73: {  	v5 =	vadd.s32 v5, v7;
	v6 =	vnsel vm1, $0x0, v6;
	v9 =	vtrunc.f32 v1  }
0x74: {  	v2 =	vmin.u32 v2, $0x270F;
	v6 =	vmin.u32 v6, $0x270F;
	vm1 =	veq.f32 v1, v9;
	v1 =	vld [tilespmem:$0x20];
	[tilespmem:$0x150] =	vst v8  }
0x75: {  	v7 =	vtrunc.f32 v10;
	v2 =	vmul.u32 $0x3, v2;
	v6 =	vmul.u32 $0x3, v6  }
0x76: {  	vm2 =	vgt.s32 v5, $0x0;
	v8 =	vcvt.f32.s32 v9;
	v9 =	vcvt.f32.s32 v7  }
0x77: {  	vm3 =	veq.f32 v10, v7;
	v7 =	vadd.s32 $0x1, v6;
	[tilespmem:$0xE0] =	vst v6;
	v6 =	vadd.s32 $0x2, v6  }
0x78: {  	v5 =	vnsel vm2, $0x0, v5;
	v10 =	vand.u32 $0x1, v8;
	v11 =	vand.u32 $0x1, v9;
	[tilespmem:$0x1D0] =	vst v3  }
0x79: {  	vm2 =	veq.s32 v10, $0x1;
	vm4 =	veq.s32 v11, $0x1;
	v3 =	vmin.u32 v5, $0x270F;
	[tilespmem:$0x160] =	vst v7  }
0x7a: {  	vm1 =	vmand vm1, vm2;
	vm2 =	vmand vm3, vm4;
	v3 =	vmul.u32 $0x3, v3;
	[tilespmem:$0xF0] =	vst v2  }
0x7b: {  	v5 =	vsel vm1, $0xFFFFFFFF, v0;
	v1 =	vadd.f32 $5.000000000e-01, v1;
	v7 =	vsel vm2, $0xFFFFFFFF, v0;
	[tilespmem:$0x1E0] =	vst v6  }
0x7c: {  	v4 =	vcvt.f32.s32 v4;
	v5 =	vadd.s32 v8, v5;
	v6 =	vadd.s32 v9, v7;
	[tilespmem:$0xC0] =	vst v3  }
0x7d: {  	vm1 =	vgt.s32 v5, $0x0;
	v7 =	vadd.s32 $0x2, v3;
	vm2 =	vgt.s32 v6, $0x0  }
0x7e: {  	v8 =	vtrunc.f32 v1;
	v5 =	vnsel vm1, $0x0, v5;
	v6 =	vnsel vm2, $0x0, v6  }
0x7f: {  	v9 =	vcvt.f32.s32 v8;
	vm1 =	veq.f32 v1, v8;
	v5 =	vmin.u32 v5, $0x270F  }
0x80: {  	v3 =	vadd.s32 $0x1, v3;
	v1 =	vmul.u32 $0x3, v5;
	v5 =	vmin.u32 v6, $0x270F  }
0x81: {  	v6 =	vand.u32 $0x1, v4;
	v8 =	vand.u32 $0x1, v9;
	v5 =	vmul.u32 $0x3, v5;
	[tilespmem:$0x1C0] =	vst v7  }
0x82: {  	vm2 =	veq.s32 v8, $0x1;
	v10 =	vadd.s32 $0x2, v1;
	v7 =	vadd.s32 $0x1, v1;
	[tilespmem:$0x140] =	vst v3  }
0x83: {  	vm3 =	veq.s32 v6, $0x1;
	vm1 =	vmand vm1, vm2;
	v3 =	vadd.s32 $0x1, v5;
	[tilespmem:$0xB0] =	vst v5  }
0x84: {  	vm0 =	vmand vm0, vm3;
	v6 =	vsel vm1, $0xFFFFFFFF, v0;
	[tilespmem:$0x130] =	vst v3;
	v3 =	vadd.s32 $0x2, v5  }
0x85: {  	v6 =	vadd.s32 v9, v6;
	v5 =	vsel vm0, $0xFFFFFFFF, v0;
	[tilespmem:$0x1B0] =	vst v3;
	v3 =	vadd.s32 $0x1, v2  }
0x86: {  	vm0 =	vgt.s32 v6, $0x0;
	v4 =	vadd.s32 v4, v5;
	[tilespmem:$0x90] =	vst v1;
	v1 =	vadd.s32 $0x2, v2  }
0x87: {  	vm1 =	vgt.s32 v4, $0x0;
	v2 =	vnsel vm0, $0x0, v6;
	[tilespmem:$0x170] =	vst v3  }
0x88: {  	v3 =	vnsel vm1, $0x0, v4;
	v2 =	vmin.u32 v2, $0x270F;
	[tilespmem:$0x110] =	vst v7  }
0x89: {  	v3 =	vmin.u32 v3, $0x270F;
	v2 =	vmul.u32 $0x3, v2;
	[tilespmem:$0x190] =	vst v10  }
0x8a: {  	v3 =	vmul.u32 $0x3, v3;
	[tilespmem:$0x1F0] =	vst v1  }
0x8b: {  	v1 =	vadd.s32 $0x1, v2;
	[tilespmem:$0xA0] =	vst v2;
	v2 =	vadd.s32 $0x2, v2  }
0x8c: {  	v4 =	vadd.s32 $0x1, v3;
	[tilespmem:$0x80] =	vst v3;
	v3 =	vadd.s32 $0x2, v3  }
0x8d: {  	[tilespmem:$0x120] =	vst v1  }
0x8e: {  	[tilespmem:$0x180] =	vst v3  }
0x8f: {  	[tilespmem:$0x1A0] =	vst v2  }
0x90: {  	[tilespmem:$0x100] =	vst v4  }
0x91: {  	[tilespmem:s6], [sflag:$0x1] =	stream.indirect.gather [hbm4b:s3+s8], $0x1, s8, s8, $0xb8;
	[tilespmem:$0x480] =	vst v63  }
0x92: {  	_ =	swait.ge [sflag:s7], $0x80  }
0x93: {  	[sflag:s7] =	ssyncset.done $0x0  }
0x94: {  	[sflag:s7] =	ssyncadd.s32 $0xFFFFFF80  }
0x95: {  	[tilespmem:s14], [sflag:$0x1] =	stream.indirect.gather [hbm4b:s3+s8], $0x1, s13, s8, $0xb8;
	[tilespmem:$0x480] =	vst v63  }
0x96: {  	_ =	swait.ge [sflag:s7], $0x80  }
0x97: {  	[sflag:s7] =	ssyncset.done $0x0  }
0x98: {  	[sflag:s7] =	ssyncadd.s32 $0xFFFFFF80  }
0x99: {  	[tilespmem:s11], [sflag:$0x1] =	stream.indirect.gather [hbm4b:s3+s8], $0x1, s10, s8, $0xb8;
	[tilespmem:$0x480] =	vst v63  }
0x9a: {  	_ =	swait.ge [sflag:s7], $0x80  }
.Ltmp2:
0x9b: {  	[sflag:s7] =	ssyncset.done $0x0;
	(pc) =	sbr.rel @p1 .LBB2_2-.Ltmp2, $4  }
0x9c: {  	[sflag:s7] =	ssyncadd.s32 $0xFFFFFF80  }
0x9d: {  	[hbm4b:s5+s9] =	stream.strided.scatter [tilespmem:s6], [sflag:$0x2], $0x0, s12, s9, $0x38;
	[tilespmem:$0x480] =	vst v63  }
0x9e: {  	_ = 	snop  }
0x9f: {  	[hbm4b:s5+s2] =	stream.linear.scatter [tilespmem:s6], [sflag:$0x2], $0x180, $0x38;
	[tilespmem:$0x480] =	vst v63  }
.LBB2_3:
0xa0: {  	_ =	swait.ge @p0 [sflag:s4], $0x180  }
0xa1: {  	[sflag:s4] =	ssyncset.done @p0 $0x0  }
0xa2: {  	[sflag:s4] =	ssyncadd.s32 @p0 $0xFFFFFE80  }
0xa3: {  	[tilespmem:s2], [sflag:$0x2] =	stream.linear.gather [hbm4b:s15+s2], $0x80, $0x38;
	[tilespmem:$0x480] =	vst v63  }
0xa4: {  	_ =	swait.ge [sflag:s4], $0x80  }
0xa5: {  	[sflag:s4] =	ssyncset.done $0x0  }
0xa6: {  	[sflag:s4] =	ssyncadd.s32 $0xFFFFFF80  }
0xa7: {  	v1 =	vld [tilespmem:$0x70]  }
0xa8: {  	v2 =	vld [tilespmem:$0x50]  }
0xa9: {  	v3 =	vld [tilespmem:$0x40]  }
0xaa: {  	v4 =	vld [tilespmem:$0x60]  }
0xab: {  	v5 =	vld [tilespmem:$0x0]  }
0xac: {  	v24 =	vld [tilespmem:$0x10]  }
0xad: {  	v35 =	vld [tilespmem:$0x20]  }
0xae: {  	v2 =	vadd.f32 $5.000000000e-01, v2  }
0xaf: {  	v1 =	vadd.f32 $5.000000000e-01, v1;
	v3 =	vadd.f32 $5.000000000e-01, v3  }
0xb0: {  	v4 =	vadd.f32 $5.000000000e-01, v4;
	v5 =	vadd.f32 $5.000000000e-01, v5  }
0xb1: {  	v28 =	vadd.f32 $5.000000000e-01, v24;
	v6 =	vtrunc.f32 v2;
	v7 =	vtrunc.f32 v1  }
0xb2: {  	v20 =	vld [tilespmem:$0x30];
	v41 =	vadd.f32 $5.000000000e-01, v35;
	v9 =	vtrunc.f32 v3;
	v16 =	vtrunc.f32 v4  }
0xb3: {  	v10 =	vtrunc.f32 v5;
	v32 =	vtrunc.f32 v28  }
0xb4: {  	v46 =	vtrunc.f32 v41;
	v8 =	vcvt.f32.s32 v6;
	vm1 =	veq.f32 v2, v6  }
0xb5: {  	v17 =	vcvt.f32.s32 v16;
	vm2 =	veq.f32 v4, v16;
	v19 =	vcvt.f32.s32 v7  }
0xb6: {  	vm4 =	veq.f32 v1, v7;
	vm0 =	veq.f32 v5, v10;
	v22 =	vcvt.f32.s32 v9  }
0xb7: {  	v2 =	vadd.f32 $5.000000000e-01, v20;
	vm7 =	veq.f32 v3, v9;
	v34 =	vcvt.f32.s32 v32  }
0xb8: {  	vm11 =	veq.f32 v28, v32;
	v43 =	vcvt.f32.s32 v10;
	v48 =	vcvt.f32.s32 v46  }
0xb9: {  	v18 =	vand.u32 $0x1, v8;
	v11 =	vand.u32 $0x1, v17;
	v21 =	vand.u32 $0x1, v19  }
0xba: {  	v25 =	vand.u32 $0x1, v22;
	v33 =	vtrunc.f32 v2;
	v13 =	vand.u32 $0x1, v34  }
0xbb: {  	v50 =	vand.u32 $0x1, v48;
	v51 =	vand.u32 $0x1, v43;
	vm3 =	veq.s32 v18, $0x1  }
0xbc: {  	vm14 =	veq.s32 v11, $0x1;
	vm5 =	veq.s32 v21, $0x1;
	vm6 =	veq.s32 v25, $0x1  }
0xbd: {  	v12 =	vcvt.f32.s32 v33;
	vm13 =	veq.f32 v2, v33;
	vm1 =	vmand vm1, vm3  }
0xbe: {  	vm15 =	vmand vm2, vm14;
	vm4 =	vmand vm4, vm5;
	vm8 =	vmand vm7, vm6  }
0xbf: {  	vm14 =	veq.s32 v13, $0x1;
	v23 =	vsel vm1, $0xFFFFFFFF, v0;
	v26 =	vsel vm4, $0xFFFFFFFF, v0  }
0xc0: {  	v27 =	vsel vm15, $0xFFFFFFFF, v0;
	v29 =	vsel vm8, $0xFFFFFFFF, v0;
	v1 =	vadd.s32 v8, v23  }
0xc1: {  	v39 =	vand.u32 $0x1, v12;
	v3 =	vadd.s32 v17, v27;
	vm5 =	vgt.s32 v1, $0x0  }
0xc2: {  	v4 =	vadd.s32 v19, v26;
	vm9 =	vgt.s32 v3, $0x0;
	v1 =	vnsel vm5, $0x0, v1  }
0xc3: {  	vm10 =	vgt.s32 v4, $0x0;
	v3 =	vnsel vm9, $0x0, v3;
	v1 =	vmin.u32 v1, $0x270F  }
0xc4: {  	v4 =	vnsel vm10, $0x0, v4;
	v3 =	vmin.u32 v3, $0x270F;
	v1 =	vmul.u32 $0x3, v1  }
0xc5: {  	vm1 =	vmand vm11, vm14;
	v4 =	vmin.u32 v4, $0x270F;
	v3 =	vmul.u32 $0x3, v3  }
0xc6: {  	vm11 =	veq.f32 v41, v46;
	v5 =	vadd.s32 v22, v29;
	v4 =	vmul.u32 $0x3, v4;
	[tilespmem:$0xD0] =	vst v1  }
0xc7: {  	vm15 =	veq.s32 v39, $0x1;
	v40 =	vsel vm1, $0xFFFFFFFF, v0;
	vm12 =	vgt.s32 v5, $0x0;
	[tilespmem:$0xE0] =	vst v3  }
0xc8: {  	vm8 =	vmand vm13, vm15;
	vm13 =	veq.s32 v51, $0x1;
	v30 =	vadd.s32 $0x1, v1;
	[tilespmem:$0xF0] =	vst v4  }
0xc9: {  	v38 =	vnsel vm12, $0x0, v5;
	v42 =	vsel vm8, $0xFFFFFFFF, v0;
	v31 =	vadd.s32 $0x2, v1;
	[tilespmem:$0x150] =	vst v30  }
0xca: {  	vm12 =	veq.s32 v50, $0x1;
	v44 =	vadd.s32 v12, v42;
	v36 =	vadd.s32 $0x1, v3;
	[tilespmem:$0x1D0] =	vst v31  }
0xcb: {  	vm0 =	vmand vm0, vm13;
	vm10 =	vgt.s32 v44, $0x0;
	v37 =	vadd.s32 $0x2, v3;
	[tilespmem:$0x160] =	vst v36  }
0xcc: {  	v47 =	vnsel vm10, $0x0, v44;
	v1 =	vmin.u32 v38, $0x270F;
	v57 =	vadd.s32 $0x1, v4;
	[tilespmem:$0x1E0] =	vst v37  }
0xcd: {  	v49 =	vmin.u32 v47, $0x270F;
	v61 =	vadd.s32 $0x2, v4;
	v1 =	vmul.u32 $0x3, v1;
	[tilespmem:$0x170] =	vst v57  }
0xce: {  	vm1 =	vmand vm11, vm12;
	v55 =	vsel vm0, $0xFFFFFFFF, v0;
	v5 =	vmul.u32 $0x3, v49;
	[tilespmem:$0x1F0] =	vst v61  }
0xcf: {  	v53 =	vsel vm1, $0xFFFFFFFF, v0;
	v0 =	vadd.s32 v43, v55;
	[tilespmem:$0xC0] =	vst v1  }
0xd0: {  	vm15 =	vgt.s32 v0, $0x0;
	v45 =	vadd.s32 $0x2, v1;
	[tilespmem:$0xB0] =	vst v5  }
0xd1: {  	v0 =	vnsel vm15, $0x0, v0;
	v1 =	vadd.s32 $0x1, v1;
	[tilespmem:$0x1C0] =	vst v45  }
0xd2: {  	v3 =	vadd.s32 v34, v40;
	v0 =	vmin.u32 v0, $0x270F;
	v52 =	vadd.s32 $0x1, v5;
	[tilespmem:$0x140] =	vst v1  }
0xd3: {  	vm9 =	vgt.s32 v3, $0x0;
	v0 =	vmul.u32 $0x3, v0;
	v54 =	vadd.s32 $0x2, v5;
	[tilespmem:$0x130] =	vst v52  }
0xd4: {  	v3 =	vnsel vm9, $0x0, v3;
	[tilespmem:$0x1B0] =	vst v54  }
0xd5: {  	v56 =	vadd.s32 v48, v53;
	v3 =	vmin.u32 v3, $0x270F;
	[tilespmem:$0x80] =	vst v0;
	v63 =	vadd.s32 $0x2, v0  }
0xd6: {  	vm14 =	vgt.s32 v56, $0x0;
	v3 =	vmul.u32 $0x3, v3;
	v0 =	vadd.s32 $0x1, v0;
	[tilespmem:$0x180] =	vst v63  }
0xd7: {  	v5 =	vnsel vm14, $0x0, v56;
	[tilespmem:$0x100] =	vst v0  }
0xd8: {  	v60 =	vmin.u32 v5, $0x270F;
	[tilespmem:$0x90] =	vst v3;
	v58 =	vadd.s32 $0x1, v3  }
0xd9: {  	v62 =	vmul.u32 $0x3, v60;
	v59 =	vadd.s32 $0x2, v3;
	[tilespmem:$0x110] =	vst v58  }
0xda: {  	[tilespmem:$0x190] =	vst v59  }
0xdb: {  	[tilespmem:$0xA0] =	vst v62;
	v2 =	vadd.s32 $0x1, v62  }
0xdc: {  	v1 =	vadd.s32 $0x2, v62;
	[tilespmem:$0x120] =	vst v2  }
0xdd: {  	[tilespmem:$0x1A0] =	vst v1  }
0xde: {  	[tilespmem:s6], [sflag:$0x1] =	stream.indirect.gather [hbm4b:s3+s8], $0x1, s8, s8, $0xb8;
	[tilespmem:$0x480] =	vst v63  }
0xdf: {  	_ =	swait.ge [sflag:s7], $0x80  }
0xe0: {  	[sflag:s7] =	ssyncset.done $0x0  }
0xe1: {  	[sflag:s7] =	ssyncadd.s32 $0xFFFFFF80  }
0xe2: {  	[tilespmem:s14], [sflag:$0x1] =	stream.indirect.gather [hbm4b:s3+s8], $0x1, s13, s8, $0xb8;
	[tilespmem:$0x480] =	vst v63  }
0xe3: {  	_ =	swait.ge [sflag:s7], $0x80  }
0xe4: {  	[sflag:s7] =	ssyncset.done $0x0  }
0xe5: {  	[sflag:s7] =	ssyncadd.s32 $0xFFFFFF80  }
0xe6: {  	[tilespmem:s11], [sflag:$0x1] =	stream.indirect.gather [hbm4b:s3+s8], $0x1, s10, s8, $0xb8;
	[tilespmem:$0x480] =	vst v63  }
0xe7: {  	_ =	swait.ge [sflag:s7], $0x80  }
0xe8: {  	[sflag:s7] =	ssyncset.done $0x0  }
0xe9: {  	[sflag:s7] =	ssyncadd.s32 $0xFFFFFF80  }
0xea: {  	[hbm4b:s5+s9] =	stream.strided.scatter [tilespmem:s6], [sflag:$0x2], $0x0, s12, s9, $0x38;
	[tilespmem:$0x480] =	vst v63  }
0xeb: {  	_ = 	snop  }
0xec: {  	[hbm4b:s5+s2] =	stream.linear.scatter [tilespmem:s6], [sflag:$0x2], $0x180, $0x38;
	[tilespmem:$0x480] =	vst v63  }
0xed: {  	_ =	swait.ge [sflag:s4], $0x180  }
0xee: {  	[sflag:s4] =	ssyncset.done $0x0  }
0xef: {  	[sflag:s4] =	ssyncadd.s32 $0xFFFFFE80  }
0xf0: {  	_ =	sfence.sel $0x180000  }
0xf1: {  	[bflag:$0x0] =	sbarrier.arrive $0xFFFF  }
0xf2: {  	p0 =	sne.s32 s1, $0x0;
	_ =	strace $0x90000047  }
0xf3: {  	s0 =	sadd.s32 @!p0 $0x100000, s0;
	[bflag:$0x2] =	sbarrier.arrive $0xFFFF  }
0xf4: {  	[sflag:s0] =	ssyncadd.tile.s32 @!p0 $0x1;
	_ =	shalt  }
.Lfunc_end2:
_tile_overlayer_lowered:
.L_overlay_start_2:
0xf5: {  	(tag) =	ssettag $0x2  }
0xf6: {  	s0 =	rddreg [dreg:$0x0];
	s2 =	stileid.u32  }
0xf7: {  	s1 =	rddreg [dreg:$0x1];
	p0 =	sne.s32 s2, $0x0  }
0xf8: {  	s3 =	rddreg [dreg:$0x2];
	[bflag:$0x3] =	sbarrier.arrive $0xFFFF;
	s2 =	simm.s32 @!p0 $0x1C02  }
0xf9: {  	[timem:s3], [sflag:s2] =	dma.local @!p0 [hbm:s0], s1  }
0xfa: {  	s0 =	simm.s32 @!p0 $0x2  }
0xfb: {  	_ =	swait.ge @!p0 [sflag:s0], s1  }
0xfc: {  	s1 =	ssub.s32 @!p0 $0x0, s1;
	[sflag:s0] =	ssyncset.done @!p0 $0x0  }
0xfd: {  	[sflag:s0] =	ssyncadd.s32 @!p0 s1  }
0xfe: {  	[bflag:$0x3] =	sbarrier.arrive $0xFFFF  }
0xff: {  	_ =	shalt  }

</sc_bundles>
